<compile_context>
chip_gen: v7x
topology: tpu7x:2x2x1
jax: 0.10.2.dev20260603
libtpu: 0.0.44.dev20260713+nightly
codegen_flags: <defaults>
</compile_context>

<pallas_src>
import functools

import jax
import jax.numpy as jnp
from jax import lax
from jax.experimental import pallas as pl
from jax.experimental.pallas import tpu as pltpu
from jax.experimental.pallas import tpu_sc as plsc

CHUNK = 128
NBUF = 6
LOOK = 3


@functools.lru_cache(maxsize=None)
def _make_lookup(n_idx: int, vocab: int, dim: int):
    info = plsc.get_sparse_core_info()
    nc, ns = info.num_cores, info.num_subcores
    nw = nc * ns
    assert n_idx % (nw * CHUNK) == 0
    n_chunks = n_idx // (nw * CHUNK)
    n_steady = (n_chunks - NBUF - LOOK - 1) // NBUF * NBUF
    assert n_steady > 0
    mesh = plsc.VectorSubcoreMesh(core_axis_name="c", subcore_axis_name="s")

    @functools.partial(
        pl.kernel,
        mesh=mesh,
        out_type=jax.ShapeDtypeStruct((n_idx, dim), jnp.float32),
        scratch_types=[
            pltpu.VMEM((n_chunks, CHUNK), jnp.int32),
            pltpu.VMEM((NBUF, CHUNK, dim), jnp.float32),
            pltpu.SemaphoreType.DMA((NBUF,)),
            pltpu.SemaphoreType.DMA((NBUF,)),
        ],
        compiler_params=pltpu.CompilerParams(use_tc_tiling_on_sc=True),
    )
    def lookup(tok_hbm, table_hbm, out_hbm, idx_v, rows_v, sem_in, sem_out):
        wid = lax.axis_index("s") * nc + lax.axis_index("c")
        base = wid * (n_chunks * CHUNK)
        pltpu.sync_copy(tok_hbm.at[wid], idx_v)

        def fire_gather(g, p):
            pltpu.make_async_copy(
                table_hbm.at[idx_v.at[g]], rows_v.at[p], sem_in.at[p]
            ).start()

        def wait_gather(p):
            pltpu.make_async_copy(
                table_hbm.at[pl.ds(0, CHUNK)], rows_v.at[p], sem_in.at[p]
            ).wait()

        def fire_scatter(g, p):
            pltpu.make_async_copy(
                rows_v.at[p], out_hbm.at[pl.ds(base + g * CHUNK, CHUNK)], sem_out.at[p]
            ).start()

        def wait_scatter(p):
            pltpu.make_async_copy(
                rows_v.at[p], out_hbm.at[pl.ds(0, CHUNK)], sem_out.at[p]
            ).wait()

        def step(g, p, q, refill, drain):
            wait_gather(p)
            fire_scatter(g, p)
            if drain:
                wait_scatter(q)
            if refill:
                fire_gather(g + LOOK, q)

        for g in range(LOOK):
            fire_gather(g, g)
        head = n_chunks - LOOK - n_steady - (NBUF - LOOK)
        for g in range(head):
            step(g, g % NBUF, (g + LOOK) % NBUF, True, g + LOOK >= NBUF)

        def body(i, carry):
            g0 = head + i * NBUF
            for r in range(NBUF):
                g = g0 + r
                p = (head + r) % NBUF
                q = (head + r + LOOK) % NBUF
                step(g, p, q, True, True)
            return carry

        lax.fori_loop(0, n_steady // NBUF, body, 0)

        for g in range(head + n_steady, n_chunks - LOOK):
            step(g, g % NBUF, (g + LOOK) % NBUF, True, True)
        for g in range(n_chunks - LOOK, n_chunks):
            wait_gather(g % NBUF)
            fire_scatter(g, g % NBUF)
        for g in range(n_chunks - NBUF, n_chunks):
            wait_scatter(g % NBUF)

    return lookup, nw, n_chunks


def kernel(tokens, table):
    b, t = tokens.shape
    vocab, dim = table.shape
    n_idx = b * t
    lookup, nw, n_chunks = _make_lookup(n_idx, vocab, dim)
    tok = tokens.T.astype(jnp.int32).reshape(nw, n_chunks, CHUNK)
    out = lookup(tok, table)
    return out.reshape(t, b, dim).transpose(1, 0, 2)

# --- scband reference (transcript-rebuilt; emitter-appended) ---
"""Pipeline reference for scband-vocabulary-10557029613795 (READ-ONLY COPY).

The authoritative reference and input builder live on the scoring server;
editing this copy changes nothing except your own understanding.
"""

import jax, jax.numpy as jnp
import numpy as np

VOCAB_SIZE = 28996  # bert-base-cased tokenizer vocab_size
EMBED_DIM = 128

def setup_inputs(seed: int = 0) -> dict:
    key = jax.random.key(seed)
    k1, k2 = jax.random.split(key)
    tokens = jax.random.randint(k1, (4096, 100), 0, VOCAB_SIZE, dtype=jnp.int64 if jax.config.jax_enable_x64 else jnp.int32)
    table = jax.random.normal(k2, (VOCAB_SIZE, EMBED_DIM), dtype=jnp.float32)
    return {"tokens": tokens, "table": table}

def reference(tokens, table):
    # The original module tokenizes a string into token ids padded to
    # max_length_sentence, then performs nn.Embedding lookup.
    # Here the tokenizer output is modeled by integer token ids directly.
    return jnp.take(table, tokens, axis=0)

if __name__ == "__main__":
    import jax
    _d = setup_inputs()
    print(jax.jit(kernel)(*tuple(_d.values())))

</pallas_src>

<mosaic_0001>
#map = affine_map<(d0, d1) -> (0, 0, 0)>
#map1 = affine_map<(d0, d1) -> (0, 0)>
module attributes {stable_mosaic.version = 14 : i64} {
  func.func @lookup(%arg0: i32, %arg1: i32, %arg2: memref<32x100x128xi32, #tpu.memory_space<hbm>>, %arg3: memref<28996x128xf32, #tpu.memory_space<hbm>>, %arg4: memref<409600x128xf32, #tpu.memory_space<hbm>>, %arg5: memref<100x128xi32, #tpu.memory_space<vmem>>, %arg6: memref<6x128x128xf32, #tpu.memory_space<vmem>>, %arg7: memref<6x!tpu.dma_semaphore, #tpu.memory_space<semaphore_mem>>, %arg8: memref<6x!tpu.dma_semaphore, #tpu.memory_space<semaphore_mem>>) attributes {dimension_semantics = [#tpu.dimension_semantics<core_parallel>, #tpu.dimension_semantics<subcore_parallel>], iteration_bounds = array<i64: 2, 16>, scalar_prefetch = 0 : i64, scratch_operands = 4 : i64, tpu.core_type = #tpu.core_type<sc_vector_subcore>, window_params = [{transform_indices = #map}, {transform_indices = #map1}, {transform_indices = #map1}]} {
    %mul3A = arith.constant 2 : i32
    %mul3A_0 = arith.muli %arg1, %mul3A : i32
    %add3A = arith.addi %mul3A_0, %arg0 : i32
    %mul3A_1 = arith.constant 12800 : i32
    %mul3A_2 = arith.muli %add3A, %mul3A_1 : i32
    "tpu.region"() ({
      %run_scoped3A = tpu.sem_alloc : memref<!tpu.dma_semaphore, #tpu.memory_space<semaphore_mem>>
      %dma_start3A_696 = arith.constant 0 : i32
      %dma_start3A_697 = arith.constant 0 : i32
      %dma_start3A_698 = tpu.memref_slice %arg2[%add3A, %dma_start3A_696, %dma_start3A_697] : memref<32x100x128xi32, #tpu.memory_space<hbm>> -> memref<1x100x128xi32, #tpu.memory_space<hbm>>
      %dma_start3A_699 = tpu.memref_squeeze %dma_start3A_698 : memref<1x100x128xi32, #tpu.memory_space<hbm>> -> memref<100x128xi32, #tpu.memory_space<hbm>>
      %dma_start3A_700 = arith.constant 0 : i32
      %dma_start3A_701 = arith.constant 0 : i32
      %dma_start3A_702 = tpu.memref_slice %arg2[%add3A, %dma_start3A_700, %dma_start3A_701] : memref<32x100x128xi32, #tpu.memory_space<hbm>> -> memref<1x100x128xi32, #tpu.memory_space<hbm>>
      %dma_start3A_703 = tpu.memref_squeeze %dma_start3A_702 : memref<1x100x128xi32, #tpu.memory_space<hbm>> -> memref<100x128xi32, #tpu.memory_space<hbm>>
      tpu.enqueue_dma source(%dma_start3A_703 : memref<100x128xi32, #tpu.memory_space<hbm>>) target(%arg5 : memref<100x128xi32, #tpu.memory_space<vmem>>) target_semaphore(%run_scoped3A : memref<!tpu.dma_semaphore, #tpu.memory_space<semaphore_mem>>)
      %dma_wait3A_704 = arith.constant 0 : i32
      %dma_wait3A_705 = arith.constant 0 : i32
      %dma_wait3A_706 = tpu.memref_slice %arg2[%add3A, %dma_wait3A_704, %dma_wait3A_705] : memref<32x100x128xi32, #tpu.memory_space<hbm>> -> memref<1x100x128xi32, #tpu.memory_space<hbm>>
      %dma_wait3A_707 = tpu.memref_squeeze %dma_wait3A_706 : memref<1x100x128xi32, #tpu.memory_space<hbm>> -> memref<100x128xi32, #tpu.memory_space<hbm>>
      %dma_wait3A_708 = arith.constant 0 : i32
      %dma_wait3A_709 = arith.constant 0 : i32
      %dma_wait3A_710 = tpu.memref_slice %arg2[%add3A, %dma_wait3A_708, %dma_wait3A_709] : memref<32x100x128xi32, #tpu.memory_space<hbm>> -> memref<1x100x128xi32, #tpu.memory_space<hbm>>
      %dma_wait3A_711 = tpu.memref_squeeze %dma_wait3A_710 : memref<1x100x128xi32, #tpu.memory_space<hbm>> -> memref<100x128xi32, #tpu.memory_space<hbm>>
      tpu.wait_dma2 semaphore(%run_scoped3A : memref<!tpu.dma_semaphore, #tpu.memory_space<semaphore_mem>>) src(%dma_wait3A_711 : memref<100x128xi32, #tpu.memory_space<hbm>>) dst(%arg5 : memref<100x128xi32, #tpu.memory_space<vmem>>)
      tpu.yield
    }) : () -> ()
    %dma_start3A = arith.constant 0 : i32
    %dma_start3A_3 = arith.constant 0 : i32
    %dma_start3A_4 = arith.constant 0 : i32
    %dma_start3A_5 = arith.constant 0 : i32
    %dma_start3A_6 = arith.constant 0 : i32
    %dma_start3A_7 = tpu.memref_slice %arg6[%dma_start3A_3, %dma_start3A_5, %dma_start3A_6] : memref<6x128x128xf32, #tpu.memory_space<vmem>> -> memref<1x128x128xf32, #tpu.memory_space<vmem>>
    %dma_start3A_8 = tpu.memref_squeeze %dma_start3A_7 : memref<1x128x128xf32, #tpu.memory_space<vmem>> -> memref<128x128xf32, #tpu.memory_space<vmem>>
    %dma_start3A_9 = arith.constant 0 : i32
    %dma_start3A_10 = tpu.memref_slice %arg5[%dma_start3A, %dma_start3A_9] : memref<100x128xi32, #tpu.memory_space<vmem>> -> memref<1x128xi32, #tpu.memory_space<vmem>>
    %dma_start3A_11 = tpu.memref_squeeze %dma_start3A_10 : memref<1x128xi32, #tpu.memory_space<vmem>> -> memref<128xi32, #tpu.memory_space<vmem>>
    %dma_start3A_12 = arith.constant 0 : i32
    %dma_start3A_13 = arith.constant 0 : i32
    %dma_start3A_14 = tpu.memref_slice %arg3[%dma_start3A_12, %dma_start3A_13] : memref<28996x128xf32, #tpu.memory_space<hbm>> -> memref<28996x128xf32, #tpu.memory_space<hbm>>
    %dma_start3A_15 = tpu.memref_slice %arg7[%dma_start3A_4] : memref<6x!tpu.dma_semaphore, #tpu.memory_space<semaphore_mem>> -> memref<1x!tpu.dma_semaphore, #tpu.memory_space<semaphore_mem>>
    %dma_start3A_16 = tpu.memref_squeeze %dma_start3A_15 : memref<1x!tpu.dma_semaphore, #tpu.memory_space<semaphore_mem>> -> memref<!tpu.dma_semaphore, #tpu.memory_space<semaphore_mem>>
    tpu.enqueue_indirect_dma source(%dma_start3A_14 : memref<28996x128xf32, #tpu.memory_space<hbm>>) target(%dma_start3A_8 : memref<128x128xf32, #tpu.memory_space<vmem>>) offsets(%dma_start3A_11 : memref<128xi32, #tpu.memory_space<vmem>>) semaphore(%dma_start3A_16 : memref<!tpu.dma_semaphore, #tpu.memory_space<semaphore_mem>>)
    %dma_start3A_17 = arith.constant 1 : i32
    %dma_start3A_18 = arith.constant 1 : i32
    %dma_start3A_19 = arith.constant 1 : i32
    %dma_start3A_20 = arith.constant 0 : i32
    %dma_start3A_21 = arith.constant 0 : i32
    %dma_start3A_22 = tpu.memref_slice %arg6[%dma_start3A_18, %dma_start3A_20, %dma_start3A_21] : memref<6x128x128xf32, #tpu.memory_space<vmem>> -> memref<1x128x128xf32, #tpu.memory_space<vmem>>
    %dma_start3A_23 = tpu.memref_squeeze %dma_start3A_22 : memref<1x128x128xf32, #tpu.memory_space<vmem>> -> memref<128x128xf32, #tpu.memory_space<vmem>>
    %dma_start3A_24 = arith.constant 0 : i32
    %dma_start3A_25 = tpu.memref_slice %arg5[%dma_start3A_17, %dma_start3A_24] : memref<100x128xi32, #tpu.memory_space<vmem>> -> memref<1x128xi32, #tpu.memory_space<vmem>>
    %dma_start3A_26 = tpu.memref_squeeze %dma_start3A_25 : memref<1x128xi32, #tpu.memory_space<vmem>> -> memref<128xi32, #tpu.memory_space<vmem>>
    %dma_start3A_27 = arith.constant 0 : i32
    %dma_start3A_28 = arith.constant 0 : i32
    %dma_start3A_29 = tpu.memref_slice %arg3[%dma_start3A_27, %dma_start3A_28] : memref<28996x128xf32, #tpu.memory_space<hbm>> -> memref<28996x128xf32, #tpu.memory_space<hbm>>
    %dma_start3A_30 = tpu.memref_slice %arg7[%dma_start3A_19] : memref<6x!tpu.dma_semaphore, #tpu.memory_space<semaphore_mem>> -> memref<1x!tpu.dma_semaphore, #tpu.memory_space<semaphore_mem>>
    %dma_start3A_31 = tpu.memref_squeeze %dma_start3A_30 : memref<1x!tpu.dma_semaphore, #tpu.memory_space<semaphore_mem>> -> memref<!tpu.dma_semaphore, #tpu.memory_space<semaphore_mem>>
    tpu.enqueue_indirect_dma source(%dma_start3A_29 : memref<28996x128xf32, #tpu.memory_space<hbm>>) target(%dma_start3A_23 : memref<128x128xf32, #tpu.memory_space<vmem>>) offsets(%dma_start3A_26 : memref<128xi32, #tpu.memory_space<vmem>>) semaphore(%dma_start3A_31 : memref<!tpu.dma_semaphore, #tpu.memory_space<semaphore_mem>>)
    %dma_start3A_32 = arith.constant 2 : i32
    %dma_start3A_33 = arith.constant 2 : i32
    %dma_start3A_34 = arith.constant 2 : i32
    %dma_start3A_35 = arith.constant 0 : i32
    %dma_start3A_36 = arith.constant 0 : i32
    %dma_start3A_37 = tpu.memref_slice %arg6[%dma_start3A_33, %dma_start3A_35, %dma_start3A_36] : memref<6x128x128xf32, #tpu.memory_space<vmem>> -> memref<1x128x128xf32, #tpu.memory_space<vmem>>
    %dma_start3A_38 = tpu.memref_squeeze %dma_start3A_37 : memref<1x128x128xf32, #tpu.memory_space<vmem>> -> memref<128x128xf32, #tpu.memory_space<vmem>>
    %dma_start3A_39 = arith.constant 0 : i32
    %dma_start3A_40 = tpu.memref_slice %arg5[%dma_start3A_32, %dma_start3A_39] : memref<100x128xi32, #tpu.memory_space<vmem>> -> memref<1x128xi32, #tpu.memory_space<vmem>>
    %dma_start3A_41 = tpu.memref_squeeze %dma_start3A_40 : memref<1x128xi32, #tpu.memory_space<vmem>> -> memref<128xi32, #tpu.memory_space<vmem>>
    %dma_start3A_42 = arith.constant 0 : i32
    %dma_start3A_43 = arith.constant 0 : i32
    %dma_start3A_44 = tpu.memref_slice %arg3[%dma_start3A_42, %dma_start3A_43] : memref<28996x128xf32, #tpu.memory_space<hbm>> -> memref<28996x128xf32, #tpu.memory_space<hbm>>
    %dma_start3A_45 = tpu.memref_slice %arg7[%dma_start3A_34] : memref<6x!tpu.dma_semaphore, #tpu.memory_space<semaphore_mem>> -> memref<1x!tpu.dma_semaphore, #tpu.memory_space<semaphore_mem>>
    %dma_start3A_46 = tpu.memref_squeeze %dma_start3A_45 : memref<1x!tpu.dma_semaphore, #tpu.memory_space<semaphore_mem>> -> memref<!tpu.dma_semaphore, #tpu.memory_space<semaphore_mem>>
    tpu.enqueue_indirect_dma source(%dma_start3A_44 : memref<28996x128xf32, #tpu.memory_space<hbm>>) target(%dma_start3A_38 : memref<128x128xf32, #tpu.memory_space<vmem>>) offsets(%dma_start3A_41 : memref<128xi32, #tpu.memory_space<vmem>>) semaphore(%dma_start3A_46 : memref<!tpu.dma_semaphore, #tpu.memory_space<semaphore_mem>>)
    %dma_wait3A = arith.constant 0 : i32
    %dma_wait3A_47 = arith.constant 0 : i32
    %dma_wait3A_48 = arith.constant 0 : i32
    %dma_wait3A_49 = arith.constant 0 : i32
    %dma_wait3A_50 = tpu.memref_slice %arg6[%dma_wait3A, %dma_wait3A_48, %dma_wait3A_49] : memref<6x128x128xf32, #tpu.memory_space<vmem>> -> memref<1x128x128xf32, #tpu.memory_space<vmem>>
    %dma_wait3A_51 = tpu.memref_squeeze %dma_wait3A_50 : memref<1x128x128xf32, #tpu.memory_space<vmem>> -> memref<128x128xf32, #tpu.memory_space<vmem>>
    %dma_wait3A_52 = arith.constant 0 : i32
    %dma_wait3A_53 = arith.constant 0 : i32
    %dma_wait3A_54 = tpu.memref_slice %arg3[%dma_wait3A_52, %dma_wait3A_53] : memref<28996x128xf32, #tpu.memory_space<hbm>> -> memref<128x128xf32, #tpu.memory_space<hbm>>
    %dma_wait3A_55 = tpu.memref_slice %arg7[%dma_wait3A_47] : memref<6x!tpu.dma_semaphore, #tpu.memory_space<semaphore_mem>> -> memref<1x!tpu.dma_semaphore, #tpu.memory_space<semaphore_mem>>
    %dma_wait3A_56 = tpu.memref_squeeze %dma_wait3A_55 : memref<1x!tpu.dma_semaphore, #tpu.memory_space<semaphore_mem>> -> memref<!tpu.dma_semaphore, #tpu.memory_space<semaphore_mem>>
    %dma_wait3A_57 = arith.constant 0 : i32
    %dma_wait3A_58 = arith.constant 0 : i32
    %dma_wait3A_59 = tpu.memref_slice %arg6[%dma_wait3A, %dma_wait3A_57, %dma_wait3A_58] : memref<6x128x128xf32, #tpu.memory_space<vmem>> -> memref<1x128x128xf32, #tpu.memory_space<vmem>>
    %dma_wait3A_60 = tpu.memref_squeeze %dma_wait3A_59 : memref<1x128x128xf32, #tpu.memory_space<vmem>> -> memref<128x128xf32, #tpu.memory_space<vmem>>
    %dma_wait3A_61 = arith.constant 0 : i32
    %dma_wait3A_62 = arith.constant 0 : i32
    %dma_wait3A_63 = tpu.memref_slice %arg3[%dma_wait3A_61, %dma_wait3A_62] : memref<28996x128xf32, #tpu.memory_space<hbm>> -> memref<128x128xf32, #tpu.memory_space<hbm>>
    tpu.wait_dma2 semaphore(%dma_wait3A_56 : memref<!tpu.dma_semaphore, #tpu.memory_space<semaphore_mem>>) src(%dma_wait3A_63 : memref<128x128xf32, #tpu.memory_space<hbm>>) dst(%dma_wait3A_60 : memref<128x128xf32, #tpu.memory_space<vmem>>)
    %add3A_64 = arith.constant 0 : i32
    %add3A_65 = arith.addi %mul3A_2, %add3A_64 : i32
    %dma_start3A_66 = arith.constant 0 : i32
    %dma_start3A_67 = arith.constant 0 : i32
    %dma_start3A_68 = arith.constant 0 : i32
    %dma_start3A_69 = arith.constant 0 : i32
    %dma_start3A_70 = tpu.memref_slice %arg6[%dma_start3A_66, %dma_start3A_68, %dma_start3A_69] : memref<6x128x128xf32, #tpu.memory_space<vmem>> -> memref<1x128x128xf32, #tpu.memory_space<vmem>>
    %dma_start3A_71 = tpu.memref_squeeze %dma_start3A_70 : memref<1x128x128xf32, #tpu.memory_space<vmem>> -> memref<128x128xf32, #tpu.memory_space<vmem>>
    %dma_start3A_72 = arith.constant 0 : i32
    %dma_start3A_73 = tpu.memref_slice %arg4[%add3A_65, %dma_start3A_72] : memref<409600x128xf32, #tpu.memory_space<hbm>> -> memref<128x128xf32, #tpu.memory_space<hbm>>
    %dma_start3A_74 = tpu.memref_slice %arg8[%dma_start3A_67] : memref<6x!tpu.dma_semaphore, #tpu.memory_space<semaphore_mem>> -> memref<1x!tpu.dma_semaphore, #tpu.memory_space<semaphore_mem>>
    %dma_start3A_75 = tpu.memref_squeeze %dma_start3A_74 : memref<1x!tpu.dma_semaphore, #tpu.memory_space<semaphore_mem>> -> memref<!tpu.dma_semaphore, #tpu.memory_space<semaphore_mem>>
    %dma_start3A_76 = arith.constant 0 : i32
    %dma_start3A_77 = tpu.memref_slice %arg4[%add3A_65, %dma_start3A_76] : memref<409600x128xf32, #tpu.memory_space<hbm>> -> memref<128x128xf32, #tpu.memory_space<hbm>>
    %dma_start3A_78 = arith.constant 0 : i32
    %dma_start3A_79 = arith.constant 0 : i32
    %dma_start3A_80 = tpu.memref_slice %arg6[%dma_start3A_66, %dma_start3A_78, %dma_start3A_79] : memref<6x128x128xf32, #tpu.memory_space<vmem>> -> memref<1x128x128xf32, #tpu.memory_space<vmem>>
    %dma_start3A_81 = tpu.memref_squeeze %dma_start3A_80 : memref<1x128x128xf32, #tpu.memory_space<vmem>> -> memref<128x128xf32, #tpu.memory_space<vmem>>
    tpu.enqueue_dma source(%dma_start3A_81 : memref<128x128xf32, #tpu.memory_space<vmem>>) target(%dma_start3A_77 : memref<128x128xf32, #tpu.memory_space<hbm>>) target_semaphore(%dma_start3A_75 : memref<!tpu.dma_semaphore, #tpu.memory_space<semaphore_mem>>)
    %dma_start3A_82 = arith.constant 3 : i32
    %dma_start3A_83 = arith.constant 3 : i32
    %dma_start3A_84 = arith.constant 3 : i32
    %dma_start3A_85 = arith.constant 0 : i32
    %dma_start3A_86 = arith.constant 0 : i32
    %dma_start3A_87 = tpu.memref_slice %arg6[%dma_start3A_83, %dma_start3A_85, %dma_start3A_86] : memref<6x128x128xf32, #tpu.memory_space<vmem>> -> memref<1x128x128xf32, #tpu.memory_space<vmem>>
    %dma_start3A_88 = tpu.memref_squeeze %dma_start3A_87 : memref<1x128x128xf32, #tpu.memory_space<vmem>> -> memref<128x128xf32, #tpu.memory_space<vmem>>
    %dma_start3A_89 = arith.constant 0 : i32
    %dma_start3A_90 = tpu.memref_slice %arg5[%dma_start3A_82, %dma_start3A_89] : memref<100x128xi32, #tpu.memory_space<vmem>> -> memref<1x128xi32, #tpu.memory_space<vmem>>
    %dma_start3A_91 = tpu.memref_squeeze %dma_start3A_90 : memref<1x128xi32, #tpu.memory_space<vmem>> -> memref<128xi32, #tpu.memory_space<vmem>>
    %dma_start3A_92 = arith.constant 0 : i32
    %dma_start3A_93 = arith.constant 0 : i32
    %dma_start3A_94 = tpu.memref_slice %arg3[%dma_start3A_92, %dma_start3A_93] : memref<28996x128xf32, #tpu.memory_space<hbm>> -> memref<28996x128xf32, #tpu.memory_space<hbm>>
    %dma_start3A_95 = tpu.memref_slice %arg7[%dma_start3A_84] : memref<6x!tpu.dma_semaphore, #tpu.memory_space<semaphore_mem>> -> memref<1x!tpu.dma_semaphore, #tpu.memory_space<semaphore_mem>>
    %dma_start3A_96 = tpu.memref_squeeze %dma_start3A_95 : memref<1x!tpu.dma_semaphore, #tpu.memory_space<semaphore_mem>> -> memref<!tpu.dma_semaphore, #tpu.memory_space<semaphore_mem>>
    tpu.enqueue_indirect_dma source(%dma_start3A_94 : memref<28996x128xf32, #tpu.memory_space<hbm>>) target(%dma_start3A_88 : memref<128x128xf32, #tpu.memory_space<vmem>>) offsets(%dma_start3A_91 : memref<128xi32, #tpu.memory_space<vmem>>) semaphore(%dma_start3A_96 : memref<!tpu.dma_semaphore, #tpu.memory_space<semaphore_mem>>)
    %dma_wait3A_97 = arith.constant 1 : i32
    %dma_wait3A_98 = arith.constant 1 : i32
    %dma_wait3A_99 = arith.constant 0 : i32
    %dma_wait3A_100 = arith.constant 0 : i32
    %dma_wait3A_101 = tpu.memref_slice %arg6[%dma_wait3A_97, %dma_wait3A_99, %dma_wait3A_100] : memref<6x128x128xf32, #tpu.memory_space<vmem>> -> memref<1x128x128xf32, #tpu.memory_space<vmem>>
    %dma_wait3A_102 = tpu.memref_squeeze %dma_wait3A_101 : memref<1x128x128xf32, #tpu.memory_space<vmem>> -> memref<128x128xf32, #tpu.memory_space<vmem>>
    %dma_wait3A_103 = arith.constant 0 : i32
    %dma_wait3A_104 = arith.constant 0 : i32
    %dma_wait3A_105 = tpu.memref_slice %arg3[%dma_wait3A_103, %dma_wait3A_104] : memref<28996x128xf32, #tpu.memory_space<hbm>> -> memref<128x128xf32, #tpu.memory_space<hbm>>
    %dma_wait3A_106 = tpu.memref_slice %arg7[%dma_wait3A_98] : memref<6x!tpu.dma_semaphore, #tpu.memory_space<semaphore_mem>> -> memref<1x!tpu.dma_semaphore, #tpu.memory_space<semaphore_mem>>
    %dma_wait3A_107 = tpu.memref_squeeze %dma_wait3A_106 : memref<1x!tpu.dma_semaphore, #tpu.memory_space<semaphore_mem>> -> memref<!tpu.dma_semaphore, #tpu.memory_space<semaphore_mem>>
    %dma_wait3A_108 = arith.constant 0 : i32
    %dma_wait3A_109 = arith.constant 0 : i32
    %dma_wait3A_110 = tpu.memref_slice %arg6[%dma_wait3A_97, %dma_wait3A_108, %dma_wait3A_109] : memref<6x128x128xf32, #tpu.memory_space<vmem>> -> memref<1x128x128xf32, #tpu.memory_space<vmem>>
    %dma_wait3A_111 = tpu.memref_squeeze %dma_wait3A_110 : memref<1x128x128xf32, #tpu.memory_space<vmem>> -> memref<128x128xf32, #tpu.memory_space<vmem>>
    %dma_wait3A_112 = arith.constant 0 : i32
    %dma_wait3A_113 = arith.constant 0 : i32
    %dma_wait3A_114 = tpu.memref_slice %arg3[%dma_wait3A_112, %dma_wait3A_113] : memref<28996x128xf32, #tpu.memory_space<hbm>> -> memref<128x128xf32, #tpu.memory_space<hbm>>
    tpu.wait_dma2 semaphore(%dma_wait3A_107 : memref<!tpu.dma_semaphore, #tpu.memory_space<semaphore_mem>>) src(%dma_wait3A_114 : memref<128x128xf32, #tpu.memory_space<hbm>>) dst(%dma_wait3A_111 : memref<128x128xf32, #tpu.memory_space<vmem>>)
    %add3A_115 = arith.constant 128 : i32
    %add3A_116 = arith.addi %mul3A_2, %add3A_115 : i32
    %dma_start3A_117 = arith.constant 1 : i32
    %dma_start3A_118 = arith.constant 1 : i32
    %dma_start3A_119 = arith.constant 0 : i32
    %dma_start3A_120 = arith.constant 0 : i32
    %dma_start3A_121 = tpu.memref_slice %arg6[%dma_start3A_117, %dma_start3A_119, %dma_start3A_120] : memref<6x128x128xf32, #tpu.memory_space<vmem>> -> memref<1x128x128xf32, #tpu.memory_space<vmem>>
    %dma_start3A_122 = tpu.memref_squeeze %dma_start3A_121 : memref<1x128x128xf32, #tpu.memory_space<vmem>> -> memref<128x128xf32, #tpu.memory_space<vmem>>
    %dma_start3A_123 = arith.constant 0 : i32
    %dma_start3A_124 = tpu.memref_slice %arg4[%add3A_116, %dma_start3A_123] : memref<409600x128xf32, #tpu.memory_space<hbm>> -> memref<128x128xf32, #tpu.memory_space<hbm>>
    %dma_start3A_125 = tpu.memref_slice %arg8[%dma_start3A_118] : memref<6x!tpu.dma_semaphore, #tpu.memory_space<semaphore_mem>> -> memref<1x!tpu.dma_semaphore, #tpu.memory_space<semaphore_mem>>
    %dma_start3A_126 = tpu.memref_squeeze %dma_start3A_125 : memref<1x!tpu.dma_semaphore, #tpu.memory_space<semaphore_mem>> -> memref<!tpu.dma_semaphore, #tpu.memory_space<semaphore_mem>>
    %dma_start3A_127 = arith.constant 0 : i32
    %dma_start3A_128 = tpu.memref_slice %arg4[%add3A_116, %dma_start3A_127] : memref<409600x128xf32, #tpu.memory_space<hbm>> -> memref<128x128xf32, #tpu.memory_space<hbm>>
    %dma_start3A_129 = arith.constant 0 : i32
    %dma_start3A_130 = arith.constant 0 : i32
    %dma_start3A_131 = tpu.memref_slice %arg6[%dma_start3A_117, %dma_start3A_129, %dma_start3A_130] : memref<6x128x128xf32, #tpu.memory_space<vmem>> -> memref<1x128x128xf32, #tpu.memory_space<vmem>>
    %dma_start3A_132 = tpu.memref_squeeze %dma_start3A_131 : memref<1x128x128xf32, #tpu.memory_space<vmem>> -> memref<128x128xf32, #tpu.memory_space<vmem>>
    tpu.enqueue_dma source(%dma_start3A_132 : memref<128x128xf32, #tpu.memory_space<vmem>>) target(%dma_start3A_128 : memref<128x128xf32, #tpu.memory_space<hbm>>) target_semaphore(%dma_start3A_126 : memref<!tpu.dma_semaphore, #tpu.memory_space<semaphore_mem>>)
    %dma_start3A_133 = arith.constant 4 : i32
    %dma_start3A_134 = arith.constant 4 : i32
    %dma_start3A_135 = arith.constant 4 : i32
    %dma_start3A_136 = arith.constant 0 : i32
    %dma_start3A_137 = arith.constant 0 : i32
    %dma_start3A_138 = tpu.memref_slice %arg6[%dma_start3A_134, %dma_start3A_136, %dma_start3A_137] : memref<6x128x128xf32, #tpu.memory_space<vmem>> -> memref<1x128x128xf32, #tpu.memory_space<vmem>>
    %dma_start3A_139 = tpu.memref_squeeze %dma_start3A_138 : memref<1x128x128xf32, #tpu.memory_space<vmem>> -> memref<128x128xf32, #tpu.memory_space<vmem>>
    %dma_start3A_140 = arith.constant 0 : i32
    %dma_start3A_141 = tpu.memref_slice %arg5[%dma_start3A_133, %dma_start3A_140] : memref<100x128xi32, #tpu.memory_space<vmem>> -> memref<1x128xi32, #tpu.memory_space<vmem>>
    %dma_start3A_142 = tpu.memref_squeeze %dma_start3A_141 : memref<1x128xi32, #tpu.memory_space<vmem>> -> memref<128xi32, #tpu.memory_space<vmem>>
    %dma_start3A_143 = arith.constant 0 : i32
    %dma_start3A_144 = arith.constant 0 : i32
    %dma_start3A_145 = tpu.memref_slice %arg3[%dma_start3A_143, %dma_start3A_144] : memref<28996x128xf32, #tpu.memory_space<hbm>> -> memref<28996x128xf32, #tpu.memory_space<hbm>>
    %dma_start3A_146 = tpu.memref_slice %arg7[%dma_start3A_135] : memref<6x!tpu.dma_semaphore, #tpu.memory_space<semaphore_mem>> -> memref<1x!tpu.dma_semaphore, #tpu.memory_space<semaphore_mem>>
    %dma_start3A_147 = tpu.memref_squeeze %dma_start3A_146 : memref<1x!tpu.dma_semaphore, #tpu.memory_space<semaphore_mem>> -> memref<!tpu.dma_semaphore, #tpu.memory_space<semaphore_mem>>
    tpu.enqueue_indirect_dma source(%dma_start3A_145 : memref<28996x128xf32, #tpu.memory_space<hbm>>) target(%dma_start3A_139 : memref<128x128xf32, #tpu.memory_space<vmem>>) offsets(%dma_start3A_142 : memref<128xi32, #tpu.memory_space<vmem>>) semaphore(%dma_start3A_147 : memref<!tpu.dma_semaphore, #tpu.memory_space<semaphore_mem>>)
    %dma_wait3A_148 = arith.constant 2 : i32
    %dma_wait3A_149 = arith.constant 2 : i32
    %dma_wait3A_150 = arith.constant 0 : i32
    %dma_wait3A_151 = arith.constant 0 : i32
    %dma_wait3A_152 = tpu.memref_slice %arg6[%dma_wait3A_148, %dma_wait3A_150, %dma_wait3A_151] : memref<6x128x128xf32, #tpu.memory_space<vmem>> -> memref<1x128x128xf32, #tpu.memory_space<vmem>>
    %dma_wait3A_153 = tpu.memref_squeeze %dma_wait3A_152 : memref<1x128x128xf32, #tpu.memory_space<vmem>> -> memref<128x128xf32, #tpu.memory_space<vmem>>
    %dma_wait3A_154 = arith.constant 0 : i32
    %dma_wait3A_155 = arith.constant 0 : i32
    %dma_wait3A_156 = tpu.memref_slice %arg3[%dma_wait3A_154, %dma_wait3A_155] : memref<28996x128xf32, #tpu.memory_space<hbm>> -> memref<128x128xf32, #tpu.memory_space<hbm>>
    %dma_wait3A_157 = tpu.memref_slice %arg7[%dma_wait3A_149] : memref<6x!tpu.dma_semaphore, #tpu.memory_space<semaphore_mem>> -> memref<1x!tpu.dma_semaphore, #tpu.memory_space<semaphore_mem>>
    %dma_wait3A_158 = tpu.memref_squeeze %dma_wait3A_157 : memref<1x!tpu.dma_semaphore, #tpu.memory_space<semaphore_mem>> -> memref<!tpu.dma_semaphore, #tpu.memory_space<semaphore_mem>>
    %dma_wait3A_159 = arith.constant 0 : i32
    %dma_wait3A_160 = arith.constant 0 : i32
    %dma_wait3A_161 = tpu.memref_slice %arg6[%dma_wait3A_148, %dma_wait3A_159, %dma_wait3A_160] : memref<6x128x128xf32, #tpu.memory_space<vmem>> -> memref<1x128x128xf32, #tpu.memory_space<vmem>>
    %dma_wait3A_162 = tpu.memref_squeeze %dma_wait3A_161 : memref<1x128x128xf32, #tpu.memory_space<vmem>> -> memref<128x128xf32, #tpu.memory_space<vmem>>
    %dma_wait3A_163 = arith.constant 0 : i32
    %dma_wait3A_164 = arith.constant 0 : i32
    %dma_wait3A_165 = tpu.memref_slice %arg3[%dma_wait3A_163, %dma_wait3A_164] : memref<28996x128xf32, #tpu.memory_space<hbm>> -> memref<128x128xf32, #tpu.memory_space<hbm>>
    tpu.wait_dma2 semaphore(%dma_wait3A_158 : memref<!tpu.dma_semaphore, #tpu.memory_space<semaphore_mem>>) src(%dma_wait3A_165 : memref<128x128xf32, #tpu.memory_space<hbm>>) dst(%dma_wait3A_162 : memref<128x128xf32, #tpu.memory_space<vmem>>)
    %add3A_166 = arith.constant 256 : i32
    %add3A_167 = arith.addi %mul3A_2, %add3A_166 : i32
    %dma_start3A_168 = arith.constant 2 : i32
    %dma_start3A_169 = arith.constant 2 : i32
    %dma_start3A_170 = arith.constant 0 : i32
    %dma_start3A_171 = arith.constant 0 : i32
    %dma_start3A_172 = tpu.memref_slice %arg6[%dma_start3A_168, %dma_start3A_170, %dma_start3A_171] : memref<6x128x128xf32, #tpu.memory_space<vmem>> -> memref<1x128x128xf32, #tpu.memory_space<vmem>>
    %dma_start3A_173 = tpu.memref_squeeze %dma_start3A_172 : memref<1x128x128xf32, #tpu.memory_space<vmem>> -> memref<128x128xf32, #tpu.memory_space<vmem>>
    %dma_start3A_174 = arith.constant 0 : i32
    %dma_start3A_175 = tpu.memref_slice %arg4[%add3A_167, %dma_start3A_174] : memref<409600x128xf32, #tpu.memory_space<hbm>> -> memref<128x128xf32, #tpu.memory_space<hbm>>
    %dma_start3A_176 = tpu.memref_slice %arg8[%dma_start3A_169] : memref<6x!tpu.dma_semaphore, #tpu.memory_space<semaphore_mem>> -> memref<1x!tpu.dma_semaphore, #tpu.memory_space<semaphore_mem>>
    %dma_start3A_177 = tpu.memref_squeeze %dma_start3A_176 : memref<1x!tpu.dma_semaphore, #tpu.memory_space<semaphore_mem>> -> memref<!tpu.dma_semaphore, #tpu.memory_space<semaphore_mem>>
    %dma_start3A_178 = arith.constant 0 : i32
    %dma_start3A_179 = tpu.memref_slice %arg4[%add3A_167, %dma_start3A_178] : memref<409600x128xf32, #tpu.memory_space<hbm>> -> memref<128x128xf32, #tpu.memory_space<hbm>>
    %dma_start3A_180 = arith.constant 0 : i32
    %dma_start3A_181 = arith.constant 0 : i32
    %dma_start3A_182 = tpu.memref_slice %arg6[%dma_start3A_168, %dma_start3A_180, %dma_start3A_181] : memref<6x128x128xf32, #tpu.memory_space<vmem>> -> memref<1x128x128xf32, #tpu.memory_space<vmem>>
    %dma_start3A_183 = tpu.memref_squeeze %dma_start3A_182 : memref<1x128x128xf32, #tpu.memory_space<vmem>> -> memref<128x128xf32, #tpu.memory_space<vmem>>
    tpu.enqueue_dma source(%dma_start3A_183 : memref<128x128xf32, #tpu.memory_space<vmem>>) target(%dma_start3A_179 : memref<128x128xf32, #tpu.memory_space<hbm>>) target_semaphore(%dma_start3A_177 : memref<!tpu.dma_semaphore, #tpu.memory_space<semaphore_mem>>)
    %dma_start3A_184 = arith.constant 5 : i32
    %dma_start3A_185 = arith.constant 5 : i32
    %dma_start3A_186 = arith.constant 5 : i32
    %dma_start3A_187 = arith.constant 0 : i32
    %dma_start3A_188 = arith.constant 0 : i32
    %dma_start3A_189 = tpu.memref_slice %arg6[%dma_start3A_185, %dma_start3A_187, %dma_start3A_188] : memref<6x128x128xf32, #tpu.memory_space<vmem>> -> memref<1x128x128xf32, #tpu.memory_space<vmem>>
    %dma_start3A_190 = tpu.memref_squeeze %dma_start3A_189 : memref<1x128x128xf32, #tpu.memory_space<vmem>> -> memref<128x128xf32, #tpu.memory_space<vmem>>
    %dma_start3A_191 = arith.constant 0 : i32
    %dma_start3A_192 = tpu.memref_slice %arg5[%dma_start3A_184, %dma_start3A_191] : memref<100x128xi32, #tpu.memory_space<vmem>> -> memref<1x128xi32, #tpu.memory_space<vmem>>
    %dma_start3A_193 = tpu.memref_squeeze %dma_start3A_192 : memref<1x128xi32, #tpu.memory_space<vmem>> -> memref<128xi32, #tpu.memory_space<vmem>>
    %dma_start3A_194 = arith.constant 0 : i32
    %dma_start3A_195 = arith.constant 0 : i32
    %dma_start3A_196 = tpu.memref_slice %arg3[%dma_start3A_194, %dma_start3A_195] : memref<28996x128xf32, #tpu.memory_space<hbm>> -> memref<28996x128xf32, #tpu.memory_space<hbm>>
    %dma_start3A_197 = tpu.memref_slice %arg7[%dma_start3A_186] : memref<6x!tpu.dma_semaphore, #tpu.memory_space<semaphore_mem>> -> memref<1x!tpu.dma_semaphore, #tpu.memory_space<semaphore_mem>>
    %dma_start3A_198 = tpu.memref_squeeze %dma_start3A_197 : memref<1x!tpu.dma_semaphore, #tpu.memory_space<semaphore_mem>> -> memref<!tpu.dma_semaphore, #tpu.memory_space<semaphore_mem>>
    tpu.enqueue_indirect_dma source(%dma_start3A_196 : memref<28996x128xf32, #tpu.memory_space<hbm>>) target(%dma_start3A_190 : memref<128x128xf32, #tpu.memory_space<vmem>>) offsets(%dma_start3A_193 : memref<128xi32, #tpu.memory_space<vmem>>) semaphore(%dma_start3A_198 : memref<!tpu.dma_semaphore, #tpu.memory_space<semaphore_mem>>)
    %dma_wait3A_199 = arith.constant 3 : i32
    %dma_wait3A_200 = arith.constant 3 : i32
    %dma_wait3A_201 = arith.constant 0 : i32
    %dma_wait3A_202 = arith.constant 0 : i32
    %dma_wait3A_203 = tpu.memref_slice %arg6[%dma_wait3A_199, %dma_wait3A_201, %dma_wait3A_202] : memref<6x128x128xf32, #tpu.memory_space<vmem>> -> memref<1x128x128xf32, #tpu.memory_space<vmem>>
    %dma_wait3A_204 = tpu.memref_squeeze %dma_wait3A_203 : memref<1x128x128xf32, #tpu.memory_space<vmem>> -> memref<128x128xf32, #tpu.memory_space<vmem>>
    %dma_wait3A_205 = arith.constant 0 : i32
    %dma_wait3A_206 = arith.constant 0 : i32
    %dma_wait3A_207 = tpu.memref_slice %arg3[%dma_wait3A_205, %dma_wait3A_206] : memref<28996x128xf32, #tpu.memory_space<hbm>> -> memref<128x128xf32, #tpu.memory_space<hbm>>
    %dma_wait3A_208 = tpu.memref_slice %arg7[%dma_wait3A_200] : memref<6x!tpu.dma_semaphore, #tpu.memory_space<semaphore_mem>> -> memref<1x!tpu.dma_semaphore, #tpu.memory_space<semaphore_mem>>
    %dma_wait3A_209 = tpu.memref_squeeze %dma_wait3A_208 : memref<1x!tpu.dma_semaphore, #tpu.memory_space<semaphore_mem>> -> memref<!tpu.dma_semaphore, #tpu.memory_space<semaphore_mem>>
    %dma_wait3A_210 = arith.constant 0 : i32
    %dma_wait3A_211 = arith.constant 0 : i32
    %dma_wait3A_212 = tpu.memref_slice %arg6[%dma_wait3A_199, %dma_wait3A_210, %dma_wait3A_211] : memref<6x128x128xf32, #tpu.memory_space<vmem>> -> memref<1x128x128xf32, #tpu.memory_space<vmem>>
    %dma_wait3A_213 = tpu.memref_squeeze %dma_wait3A_212 : memref<1x128x128xf32, #tpu.memory_space<vmem>> -> memref<128x128xf32, #tpu.memory_space<vmem>>
    %dma_wait3A_214 = arith.constant 0 : i32
    %dma_wait3A_215 = arith.constant 0 : i32
    %dma_wait3A_216 = tpu.memref_slice %arg3[%dma_wait3A_214, %dma_wait3A_215] : memref<28996x128xf32, #tpu.memory_space<hbm>> -> memref<128x128xf32, #tpu.memory_space<hbm>>
    tpu.wait_dma2 semaphore(%dma_wait3A_209 : memref<!tpu.dma_semaphore, #tpu.memory_space<semaphore_mem>>) src(%dma_wait3A_216 : memref<128x128xf32, #tpu.memory_space<hbm>>) dst(%dma_wait3A_213 : memref<128x128xf32, #tpu.memory_space<vmem>>)
    %add3A_217 = arith.constant 384 : i32
    %add3A_218 = arith.addi %mul3A_2, %add3A_217 : i32
    %dma_start3A_219 = arith.constant 3 : i32
    %dma_start3A_220 = arith.constant 3 : i32
    %dma_start3A_221 = arith.constant 0 : i32
    %dma_start3A_222 = arith.constant 0 : i32
    %dma_start3A_223 = tpu.memref_slice %arg6[%dma_start3A_219, %dma_start3A_221, %dma_start3A_222] : memref<6x128x128xf32, #tpu.memory_space<vmem>> -> memref<1x128x128xf32, #tpu.memory_space<vmem>>
    %dma_start3A_224 = tpu.memref_squeeze %dma_start3A_223 : memref<1x128x128xf32, #tpu.memory_space<vmem>> -> memref<128x128xf32, #tpu.memory_space<vmem>>
    %dma_start3A_225 = arith.constant 0 : i32
    %dma_start3A_226 = tpu.memref_slice %arg4[%add3A_218, %dma_start3A_225] : memref<409600x128xf32, #tpu.memory_space<hbm>> -> memref<128x128xf32, #tpu.memory_space<hbm>>
    %dma_start3A_227 = tpu.memref_slice %arg8[%dma_start3A_220] : memref<6x!tpu.dma_semaphore, #tpu.memory_space<semaphore_mem>> -> memref<1x!tpu.dma_semaphore, #tpu.memory_space<semaphore_mem>>
    %dma_start3A_228 = tpu.memref_squeeze %dma_start3A_227 : memref<1x!tpu.dma_semaphore, #tpu.memory_space<semaphore_mem>> -> memref<!tpu.dma_semaphore, #tpu.memory_space<semaphore_mem>>
    %dma_start3A_229 = arith.constant 0 : i32
    %dma_start3A_230 = tpu.memref_slice %arg4[%add3A_218, %dma_start3A_229] : memref<409600x128xf32, #tpu.memory_space<hbm>> -> memref<128x128xf32, #tpu.memory_space<hbm>>
    %dma_start3A_231 = arith.constant 0 : i32
    %dma_start3A_232 = arith.constant 0 : i32
    %dma_start3A_233 = tpu.memref_slice %arg6[%dma_start3A_219, %dma_start3A_231, %dma_start3A_232] : memref<6x128x128xf32, #tpu.memory_space<vmem>> -> memref<1x128x128xf32, #tpu.memory_space<vmem>>
    %dma_start3A_234 = tpu.memref_squeeze %dma_start3A_233 : memref<1x128x128xf32, #tpu.memory_space<vmem>> -> memref<128x128xf32, #tpu.memory_space<vmem>>
    tpu.enqueue_dma source(%dma_start3A_234 : memref<128x128xf32, #tpu.memory_space<vmem>>) target(%dma_start3A_230 : memref<128x128xf32, #tpu.memory_space<hbm>>) target_semaphore(%dma_start3A_228 : memref<!tpu.dma_semaphore, #tpu.memory_space<semaphore_mem>>)
    %dma_wait3A_235 = arith.constant 0 : i32
    %dma_wait3A_236 = arith.constant 0 : i32
    %dma_wait3A_237 = arith.constant 0 : i32
    %dma_wait3A_238 = arith.constant 0 : i32
    %dma_wait3A_239 = tpu.memref_slice %arg6[%dma_wait3A_235, %dma_wait3A_237, %dma_wait3A_238] : memref<6x128x128xf32, #tpu.memory_space<vmem>> -> memref<1x128x128xf32, #tpu.memory_space<vmem>>
    %dma_wait3A_240 = tpu.memref_squeeze %dma_wait3A_239 : memref<1x128x128xf32, #tpu.memory_space<vmem>> -> memref<128x128xf32, #tpu.memory_space<vmem>>
    %dma_wait3A_241 = arith.constant 0 : i32
    %dma_wait3A_242 = arith.constant 0 : i32
    %dma_wait3A_243 = tpu.memref_slice %arg4[%dma_wait3A_241, %dma_wait3A_242] : memref<409600x128xf32, #tpu.memory_space<hbm>> -> memref<128x128xf32, #tpu.memory_space<hbm>>
    %dma_wait3A_244 = tpu.memref_slice %arg8[%dma_wait3A_236] : memref<6x!tpu.dma_semaphore, #tpu.memory_space<semaphore_mem>> -> memref<1x!tpu.dma_semaphore, #tpu.memory_space<semaphore_mem>>
    %dma_wait3A_245 = tpu.memref_squeeze %dma_wait3A_244 : memref<1x!tpu.dma_semaphore, #tpu.memory_space<semaphore_mem>> -> memref<!tpu.dma_semaphore, #tpu.memory_space<semaphore_mem>>
    %dma_wait3A_246 = arith.constant 0 : i32
    %dma_wait3A_247 = arith.constant 0 : i32
    %dma_wait3A_248 = tpu.memref_slice %arg4[%dma_wait3A_246, %dma_wait3A_247] : memref<409600x128xf32, #tpu.memory_space<hbm>> -> memref<128x128xf32, #tpu.memory_space<hbm>>
    %dma_wait3A_249 = arith.constant 0 : i32
    %dma_wait3A_250 = arith.constant 0 : i32
    %dma_wait3A_251 = tpu.memref_slice %arg6[%dma_wait3A_235, %dma_wait3A_249, %dma_wait3A_250] : memref<6x128x128xf32, #tpu.memory_space<vmem>> -> memref<1x128x128xf32, #tpu.memory_space<vmem>>
    %dma_wait3A_252 = tpu.memref_squeeze %dma_wait3A_251 : memref<1x128x128xf32, #tpu.memory_space<vmem>> -> memref<128x128xf32, #tpu.memory_space<vmem>>
    tpu.wait_dma2 semaphore(%dma_wait3A_245 : memref<!tpu.dma_semaphore, #tpu.memory_space<semaphore_mem>>) src(%dma_wait3A_252 : memref<128x128xf32, #tpu.memory_space<vmem>>) dst(%dma_wait3A_248 : memref<128x128xf32, #tpu.memory_space<hbm>>)
    %dma_start3A_253 = arith.constant 6 : i32
    %dma_start3A_254 = arith.constant 0 : i32
    %dma_start3A_255 = arith.constant 0 : i32
    %dma_start3A_256 = arith.constant 0 : i32
    %dma_start3A_257 = arith.constant 0 : i32
    %dma_start3A_258 = tpu.memref_slice %arg6[%dma_start3A_254, %dma_start3A_256, %dma_start3A_257] : memref<6x128x128xf32, #tpu.memory_space<vmem>> -> memref<1x128x128xf32, #tpu.memory_space<vmem>>
    %dma_start3A_259 = tpu.memref_squeeze %dma_start3A_258 : memref<1x128x128xf32, #tpu.memory_space<vmem>> -> memref<128x128xf32, #tpu.memory_space<vmem>>
    %dma_start3A_260 = arith.constant 0 : i32
    %dma_start3A_261 = tpu.memref_slice %arg5[%dma_start3A_253, %dma_start3A_260] : memref<100x128xi32, #tpu.memory_space<vmem>> -> memref<1x128xi32, #tpu.memory_space<vmem>>
    %dma_start3A_262 = tpu.memref_squeeze %dma_start3A_261 : memref<1x128xi32, #tpu.memory_space<vmem>> -> memref<128xi32, #tpu.memory_space<vmem>>
    %dma_start3A_263 = arith.constant 0 : i32
    %dma_start3A_264 = arith.constant 0 : i32
    %dma_start3A_265 = tpu.memref_slice %arg3[%dma_start3A_263, %dma_start3A_264] : memref<28996x128xf32, #tpu.memory_space<hbm>> -> memref<28996x128xf32, #tpu.memory_space<hbm>>
    %dma_start3A_266 = tpu.memref_slice %arg7[%dma_start3A_255] : memref<6x!tpu.dma_semaphore, #tpu.memory_space<semaphore_mem>> -> memref<1x!tpu.dma_semaphore, #tpu.memory_space<semaphore_mem>>
    %dma_start3A_267 = tpu.memref_squeeze %dma_start3A_266 : memref<1x!tpu.dma_semaphore, #tpu.memory_space<semaphore_mem>> -> memref<!tpu.dma_semaphore, #tpu.memory_space<semaphore_mem>>
    tpu.enqueue_indirect_dma source(%dma_start3A_265 : memref<28996x128xf32, #tpu.memory_space<hbm>>) target(%dma_start3A_259 : memref<128x128xf32, #tpu.memory_space<vmem>>) offsets(%dma_start3A_262 : memref<128xi32, #tpu.memory_space<vmem>>) semaphore(%dma_start3A_267 : memref<!tpu.dma_semaphore, #tpu.memory_space<semaphore_mem>>)
    %scan3A = arith.constant 0 : i32
    %scan3A_268 = arith.constant 0 : i32
    %scan3A_269 = arith.constant 15 : i32
    %scan3A_270 = arith.addi %scan3A_268, %scan3A_269 : i32
    %scan3A_271 = arith.constant 1 : i32
    scf.for %scan3A_696 = %scan3A_268 to %scan3A_270 step %scan3A_271  : i32 {
      %mul3A_697 = arith.constant 6 : i32
      %mul3A_698 = arith.muli %scan3A_696, %mul3A_697 : i32
      %add3A_699 = arith.constant 4 : i32
      %add3A_700 = arith.addi %add3A_699, %mul3A_698 : i32
      %add3A_701 = arith.constant 0 : i32
      %add3A_702 = arith.addi %add3A_700, %add3A_701 : i32
      %dma_wait3A_703 = arith.constant 4 : i32
      %dma_wait3A_704 = arith.constant 4 : i32
      %dma_wait3A_705 = arith.constant 0 : i32
      %dma_wait3A_706 = arith.constant 0 : i32
      %dma_wait3A_707 = tpu.memref_slice %arg6[%dma_wait3A_703, %dma_wait3A_705, %dma_wait3A_706] : memref<6x128x128xf32, #tpu.memory_space<vmem>> -> memref<1x128x128xf32, #tpu.memory_space<vmem>>
      %dma_wait3A_708 = tpu.memref_squeeze %dma_wait3A_707 : memref<1x128x128xf32, #tpu.memory_space<vmem>> -> memref<128x128xf32, #tpu.memory_space<vmem>>
      %dma_wait3A_709 = arith.constant 0 : i32
      %dma_wait3A_710 = arith.constant 0 : i32
      %dma_wait3A_711 = tpu.memref_slice %arg3[%dma_wait3A_709, %dma_wait3A_710] : memref<28996x128xf32, #tpu.memory_space<hbm>> -> memref<128x128xf32, #tpu.memory_space<hbm>>
      %dma_wait3A_712 = tpu.memref_slice %arg7[%dma_wait3A_704] : memref<6x!tpu.dma_semaphore, #tpu.memory_space<semaphore_mem>> -> memref<1x!tpu.dma_semaphore, #tpu.memory_space<semaphore_mem>>
      %dma_wait3A_713 = tpu.memref_squeeze %dma_wait3A_712 : memref<1x!tpu.dma_semaphore, #tpu.memory_space<semaphore_mem>> -> memref<!tpu.dma_semaphore, #tpu.memory_space<semaphore_mem>>
      %dma_wait3A_714 = arith.constant 0 : i32
      %dma_wait3A_715 = arith.constant 0 : i32
      %dma_wait3A_716 = tpu.memref_slice %arg6[%dma_wait3A_703, %dma_wait3A_714, %dma_wait3A_715] : memref<6x128x128xf32, #tpu.memory_space<vmem>> -> memref<1x128x128xf32, #tpu.memory_space<vmem>>
      %dma_wait3A_717 = tpu.memref_squeeze %dma_wait3A_716 : memref<1x128x128xf32, #tpu.memory_space<vmem>> -> memref<128x128xf32, #tpu.memory_space<vmem>>
      %dma_wait3A_718 = arith.constant 0 : i32
      %dma_wait3A_719 = arith.constant 0 : i32
      %dma_wait3A_720 = tpu.memref_slice %arg3[%dma_wait3A_718, %dma_wait3A_719] : memref<28996x128xf32, #tpu.memory_space<hbm>> -> memref<128x128xf32, #tpu.memory_space<hbm>>
      tpu.wait_dma2 semaphore(%dma_wait3A_713 : memref<!tpu.dma_semaphore, #tpu.memory_space<semaphore_mem>>) src(%dma_wait3A_720 : memref<128x128xf32, #tpu.memory_space<hbm>>) dst(%dma_wait3A_717 : memref<128x128xf32, #tpu.memory_space<vmem>>)
      %mul3A_721 = arith.constant 128 : i32
      %mul3A_722 = arith.muli %add3A_702, %mul3A_721 : i32
      %add3A_723 = arith.addi %mul3A_2, %mul3A_722 : i32
      %dma_start3A_724 = arith.constant 4 : i32
      %dma_start3A_725 = arith.constant 4 : i32
      %dma_start3A_726 = arith.constant 0 : i32
      %dma_start3A_727 = arith.constant 0 : i32
      %dma_start3A_728 = tpu.memref_slice %arg6[%dma_start3A_724, %dma_start3A_726, %dma_start3A_727] : memref<6x128x128xf32, #tpu.memory_space<vmem>> -> memref<1x128x128xf32, #tpu.memory_space<vmem>>
      %dma_start3A_729 = tpu.memref_squeeze %dma_start3A_728 : memref<1x128x128xf32, #tpu.memory_space<vmem>> -> memref<128x128xf32, #tpu.memory_space<vmem>>
      %dma_start3A_730 = arith.constant 0 : i32
      %dma_start3A_731 = tpu.memref_slice %arg4[%add3A_723, %dma_start3A_730] : memref<409600x128xf32, #tpu.memory_space<hbm>> -> memref<128x128xf32, #tpu.memory_space<hbm>>
      %dma_start3A_732 = tpu.memref_slice %arg8[%dma_start3A_725] : memref<6x!tpu.dma_semaphore, #tpu.memory_space<semaphore_mem>> -> memref<1x!tpu.dma_semaphore, #tpu.memory_space<semaphore_mem>>
      %dma_start3A_733 = tpu.memref_squeeze %dma_start3A_732 : memref<1x!tpu.dma_semaphore, #tpu.memory_space<semaphore_mem>> -> memref<!tpu.dma_semaphore, #tpu.memory_space<semaphore_mem>>
      %dma_start3A_734 = arith.constant 0 : i32
      %dma_start3A_735 = tpu.memref_slice %arg4[%add3A_723, %dma_start3A_734] : memref<409600x128xf32, #tpu.memory_space<hbm>> -> memref<128x128xf32, #tpu.memory_space<hbm>>
      %dma_start3A_736 = arith.constant 0 : i32
      %dma_start3A_737 = arith.constant 0 : i32
      %dma_start3A_738 = tpu.memref_slice %arg6[%dma_start3A_724, %dma_start3A_736, %dma_start3A_737] : memref<6x128x128xf32, #tpu.memory_space<vmem>> -> memref<1x128x128xf32, #tpu.memory_space<vmem>>
      %dma_start3A_739 = tpu.memref_squeeze %dma_start3A_738 : memref<1x128x128xf32, #tpu.memory_space<vmem>> -> memref<128x128xf32, #tpu.memory_space<vmem>>
      tpu.enqueue_dma source(%dma_start3A_739 : memref<128x128xf32, #tpu.memory_space<vmem>>) target(%dma_start3A_735 : memref<128x128xf32, #tpu.memory_space<hbm>>) target_semaphore(%dma_start3A_733 : memref<!tpu.dma_semaphore, #tpu.memory_space<semaphore_mem>>)
      %dma_wait3A_740 = arith.constant 1 : i32
      %dma_wait3A_741 = arith.constant 1 : i32
      %dma_wait3A_742 = arith.constant 0 : i32
      %dma_wait3A_743 = arith.constant 0 : i32
      %dma_wait3A_744 = tpu.memref_slice %arg6[%dma_wait3A_740, %dma_wait3A_742, %dma_wait3A_743] : memref<6x128x128xf32, #tpu.memory_space<vmem>> -> memref<1x128x128xf32, #tpu.memory_space<vmem>>
      %dma_wait3A_745 = tpu.memref_squeeze %dma_wait3A_744 : memref<1x128x128xf32, #tpu.memory_space<vmem>> -> memref<128x128xf32, #tpu.memory_space<vmem>>
      %dma_wait3A_746 = arith.constant 0 : i32
      %dma_wait3A_747 = arith.constant 0 : i32
      %dma_wait3A_748 = tpu.memref_slice %arg4[%dma_wait3A_746, %dma_wait3A_747] : memref<409600x128xf32, #tpu.memory_space<hbm>> -> memref<128x128xf32, #tpu.memory_space<hbm>>
      %dma_wait3A_749 = tpu.memref_slice %arg8[%dma_wait3A_741] : memref<6x!tpu.dma_semaphore, #tpu.memory_space<semaphore_mem>> -> memref<1x!tpu.dma_semaphore, #tpu.memory_space<semaphore_mem>>
      %dma_wait3A_750 = tpu.memref_squeeze %dma_wait3A_749 : memref<1x!tpu.dma_semaphore, #tpu.memory_space<semaphore_mem>> -> memref<!tpu.dma_semaphore, #tpu.memory_space<semaphore_mem>>
      %dma_wait3A_751 = arith.constant 0 : i32
      %dma_wait3A_752 = arith.constant 0 : i32
      %dma_wait3A_753 = tpu.memref_slice %arg4[%dma_wait3A_751, %dma_wait3A_752] : memref<409600x128xf32, #tpu.memory_space<hbm>> -> memref<128x128xf32, #tpu.memory_space<hbm>>
      %dma_wait3A_754 = arith.constant 0 : i32
      %dma_wait3A_755 = arith.constant 0 : i32
      %dma_wait3A_756 = tpu.memref_slice %arg6[%dma_wait3A_740, %dma_wait3A_754, %dma_wait3A_755] : memref<6x128x128xf32, #tpu.memory_space<vmem>> -> memref<1x128x128xf32, #tpu.memory_space<vmem>>
      %dma_wait3A_757 = tpu.memref_squeeze %dma_wait3A_756 : memref<1x128x128xf32, #tpu.memory_space<vmem>> -> memref<128x128xf32, #tpu.memory_space<vmem>>
      tpu.wait_dma2 semaphore(%dma_wait3A_750 : memref<!tpu.dma_semaphore, #tpu.memory_space<semaphore_mem>>) src(%dma_wait3A_757 : memref<128x128xf32, #tpu.memory_space<vmem>>) dst(%dma_wait3A_753 : memref<128x128xf32, #tpu.memory_space<hbm>>)
      %add3A_758 = arith.constant 3 : i32
      %add3A_759 = arith.addi %add3A_702, %add3A_758 : i32
      %dma_start3A_760 = arith.constant 1 : i32
      %dma_start3A_761 = arith.constant 1 : i32
      %dma_start3A_762 = arith.constant 0 : i32
      %dma_start3A_763 = arith.constant 0 : i32
      %dma_start3A_764 = tpu.memref_slice %arg6[%dma_start3A_760, %dma_start3A_762, %dma_start3A_763] : memref<6x128x128xf32, #tpu.memory_space<vmem>> -> memref<1x128x128xf32, #tpu.memory_space<vmem>>
      %dma_start3A_765 = tpu.memref_squeeze %dma_start3A_764 : memref<1x128x128xf32, #tpu.memory_space<vmem>> -> memref<128x128xf32, #tpu.memory_space<vmem>>
      %dma_start3A_766 = arith.constant 0 : i32
      %dma_start3A_767 = tpu.memref_slice %arg5[%add3A_759, %dma_start3A_766] : memref<100x128xi32, #tpu.memory_space<vmem>> -> memref<1x128xi32, #tpu.memory_space<vmem>>
      %dma_start3A_768 = tpu.memref_squeeze %dma_start3A_767 : memref<1x128xi32, #tpu.memory_space<vmem>> -> memref<128xi32, #tpu.memory_space<vmem>>
      %dma_start3A_769 = arith.constant 0 : i32
      %dma_start3A_770 = arith.constant 0 : i32
      %dma_start3A_771 = tpu.memref_slice %arg3[%dma_start3A_769, %dma_start3A_770] : memref<28996x128xf32, #tpu.memory_space<hbm>> -> memref<28996x128xf32, #tpu.memory_space<hbm>>
      %dma_start3A_772 = tpu.memref_slice %arg7[%dma_start3A_761] : memref<6x!tpu.dma_semaphore, #tpu.memory_space<semaphore_mem>> -> memref<1x!tpu.dma_semaphore, #tpu.memory_space<semaphore_mem>>
      %dma_start3A_773 = tpu.memref_squeeze %dma_start3A_772 : memref<1x!tpu.dma_semaphore, #tpu.memory_space<semaphore_mem>> -> memref<!tpu.dma_semaphore, #tpu.memory_space<semaphore_mem>>
      tpu.enqueue_indirect_dma source(%dma_start3A_771 : memref<28996x128xf32, #tpu.memory_space<hbm>>) target(%dma_start3A_765 : memref<128x128xf32, #tpu.memory_space<vmem>>) offsets(%dma_start3A_768 : memref<128xi32, #tpu.memory_space<vmem>>) semaphore(%dma_start3A_773 : memref<!tpu.dma_semaphore, #tpu.memory_space<semaphore_mem>>)
      %add3A_774 = arith.constant 1 : i32
      %add3A_775 = arith.addi %add3A_700, %add3A_774 : i32
      %dma_wait3A_776 = arith.constant 5 : i32
      %dma_wait3A_777 = arith.constant 5 : i32
      %dma_wait3A_778 = arith.constant 0 : i32
      %dma_wait3A_779 = arith.constant 0 : i32
      %dma_wait3A_780 = tpu.memref_slice %arg6[%dma_wait3A_776, %dma_wait3A_778, %dma_wait3A_779] : memref<6x128x128xf32, #tpu.memory_space<vmem>> -> memref<1x128x128xf32, #tpu.memory_space<vmem>>
      %dma_wait3A_781 = tpu.memref_squeeze %dma_wait3A_780 : memref<1x128x128xf32, #tpu.memory_space<vmem>> -> memref<128x128xf32, #tpu.memory_space<vmem>>
      %dma_wait3A_782 = arith.constant 0 : i32
      %dma_wait3A_783 = arith.constant 0 : i32
      %dma_wait3A_784 = tpu.memref_slice %arg3[%dma_wait3A_782, %dma_wait3A_783] : memref<28996x128xf32, #tpu.memory_space<hbm>> -> memref<128x128xf32, #tpu.memory_space<hbm>>
      %dma_wait3A_785 = tpu.memref_slice %arg7[%dma_wait3A_777] : memref<6x!tpu.dma_semaphore, #tpu.memory_space<semaphore_mem>> -> memref<1x!tpu.dma_semaphore, #tpu.memory_space<semaphore_mem>>
      %dma_wait3A_786 = tpu.memref_squeeze %dma_wait3A_785 : memref<1x!tpu.dma_semaphore, #tpu.memory_space<semaphore_mem>> -> memref<!tpu.dma_semaphore, #tpu.memory_space<semaphore_mem>>
      %dma_wait3A_787 = arith.constant 0 : i32
      %dma_wait3A_788 = arith.constant 0 : i32
      %dma_wait3A_789 = tpu.memref_slice %arg6[%dma_wait3A_776, %dma_wait3A_787, %dma_wait3A_788] : memref<6x128x128xf32, #tpu.memory_space<vmem>> -> memref<1x128x128xf32, #tpu.memory_space<vmem>>
      %dma_wait3A_790 = tpu.memref_squeeze %dma_wait3A_789 : memref<1x128x128xf32, #tpu.memory_space<vmem>> -> memref<128x128xf32, #tpu.memory_space<vmem>>
      %dma_wait3A_791 = arith.constant 0 : i32
      %dma_wait3A_792 = arith.constant 0 : i32
      %dma_wait3A_793 = tpu.memref_slice %arg3[%dma_wait3A_791, %dma_wait3A_792] : memref<28996x128xf32, #tpu.memory_space<hbm>> -> memref<128x128xf32, #tpu.memory_space<hbm>>
      tpu.wait_dma2 semaphore(%dma_wait3A_786 : memref<!tpu.dma_semaphore, #tpu.memory_space<semaphore_mem>>) src(%dma_wait3A_793 : memref<128x128xf32, #tpu.memory_space<hbm>>) dst(%dma_wait3A_790 : memref<128x128xf32, #tpu.memory_space<vmem>>)
      %mul3A_794 = arith.constant 128 : i32
      %mul3A_795 = arith.muli %add3A_775, %mul3A_794 : i32
      %add3A_796 = arith.addi %mul3A_2, %mul3A_795 : i32
      %dma_start3A_797 = arith.constant 5 : i32
      %dma_start3A_798 = arith.constant 5 : i32
      %dma_start3A_799 = arith.constant 0 : i32
      %dma_start3A_800 = arith.constant 0 : i32
      %dma_start3A_801 = tpu.memref_slice %arg6[%dma_start3A_797, %dma_start3A_799, %dma_start3A_800] : memref<6x128x128xf32, #tpu.memory_space<vmem>> -> memref<1x128x128xf32, #tpu.memory_space<vmem>>
      %dma_start3A_802 = tpu.memref_squeeze %dma_start3A_801 : memref<1x128x128xf32, #tpu.memory_space<vmem>> -> memref<128x128xf32, #tpu.memory_space<vmem>>
      %dma_start3A_803 = arith.constant 0 : i32
      %dma_start3A_804 = tpu.memref_slice %arg4[%add3A_796, %dma_start3A_803] : memref<409600x128xf32, #tpu.memory_space<hbm>> -> memref<128x128xf32, #tpu.memory_space<hbm>>
      %dma_start3A_805 = tpu.memref_slice %arg8[%dma_start3A_798] : memref<6x!tpu.dma_semaphore, #tpu.memory_space<semaphore_mem>> -> memref<1x!tpu.dma_semaphore, #tpu.memory_space<semaphore_mem>>
      %dma_start3A_806 = tpu.memref_squeeze %dma_start3A_805 : memref<1x!tpu.dma_semaphore, #tpu.memory_space<semaphore_mem>> -> memref<!tpu.dma_semaphore, #tpu.memory_space<semaphore_mem>>
      %dma_start3A_807 = arith.constant 0 : i32
      %dma_start3A_808 = tpu.memref_slice %arg4[%add3A_796, %dma_start3A_807] : memref<409600x128xf32, #tpu.memory_space<hbm>> -> memref<128x128xf32, #tpu.memory_space<hbm>>
      %dma_start3A_809 = arith.constant 0 : i32
      %dma_start3A_810 = arith.constant 0 : i32
      %dma_start3A_811 = tpu.memref_slice %arg6[%dma_start3A_797, %dma_start3A_809, %dma_start3A_810] : memref<6x128x128xf32, #tpu.memory_space<vmem>> -> memref<1x128x128xf32, #tpu.memory_space<vmem>>
      %dma_start3A_812 = tpu.memref_squeeze %dma_start3A_811 : memref<1x128x128xf32, #tpu.memory_space<vmem>> -> memref<128x128xf32, #tpu.memory_space<vmem>>
      tpu.enqueue_dma source(%dma_start3A_812 : memref<128x128xf32, #tpu.memory_space<vmem>>) target(%dma_start3A_808 : memref<128x128xf32, #tpu.memory_space<hbm>>) target_semaphore(%dma_start3A_806 : memref<!tpu.dma_semaphore, #tpu.memory_space<semaphore_mem>>)
      %dma_wait3A_813 = arith.constant 2 : i32
      %dma_wait3A_814 = arith.constant 2 : i32
      %dma_wait3A_815 = arith.constant 0 : i32
      %dma_wait3A_816 = arith.constant 0 : i32
      %dma_wait3A_817 = tpu.memref_slice %arg6[%dma_wait3A_813, %dma_wait3A_815, %dma_wait3A_816] : memref<6x128x128xf32, #tpu.memory_space<vmem>> -> memref<1x128x128xf32, #tpu.memory_space<vmem>>
      %dma_wait3A_818 = tpu.memref_squeeze %dma_wait3A_817 : memref<1x128x128xf32, #tpu.memory_space<vmem>> -> memref<128x128xf32, #tpu.memory_space<vmem>>
      %dma_wait3A_819 = arith.constant 0 : i32
      %dma_wait3A_820 = arith.constant 0 : i32
      %dma_wait3A_821 = tpu.memref_slice %arg4[%dma_wait3A_819, %dma_wait3A_820] : memref<409600x128xf32, #tpu.memory_space<hbm>> -> memref<128x128xf32, #tpu.memory_space<hbm>>
      %dma_wait3A_822 = tpu.memref_slice %arg8[%dma_wait3A_814] : memref<6x!tpu.dma_semaphore, #tpu.memory_space<semaphore_mem>> -> memref<1x!tpu.dma_semaphore, #tpu.memory_space<semaphore_mem>>
      %dma_wait3A_823 = tpu.memref_squeeze %dma_wait3A_822 : memref<1x!tpu.dma_semaphore, #tpu.memory_space<semaphore_mem>> -> memref<!tpu.dma_semaphore, #tpu.memory_space<semaphore_mem>>
      %dma_wait3A_824 = arith.constant 0 : i32
      %dma_wait3A_825 = arith.constant 0 : i32
      %dma_wait3A_826 = tpu.memref_slice %arg4[%dma_wait3A_824, %dma_wait3A_825] : memref<409600x128xf32, #tpu.memory_space<hbm>> -> memref<128x128xf32, #tpu.memory_space<hbm>>
      %dma_wait3A_827 = arith.constant 0 : i32
      %dma_wait3A_828 = arith.constant 0 : i32
      %dma_wait3A_829 = tpu.memref_slice %arg6[%dma_wait3A_813, %dma_wait3A_827, %dma_wait3A_828] : memref<6x128x128xf32, #tpu.memory_space<vmem>> -> memref<1x128x128xf32, #tpu.memory_space<vmem>>
      %dma_wait3A_830 = tpu.memref_squeeze %dma_wait3A_829 : memref<1x128x128xf32, #tpu.memory_space<vmem>> -> memref<128x128xf32, #tpu.memory_space<vmem>>
      tpu.wait_dma2 semaphore(%dma_wait3A_823 : memref<!tpu.dma_semaphore, #tpu.memory_space<semaphore_mem>>) src(%dma_wait3A_830 : memref<128x128xf32, #tpu.memory_space<vmem>>) dst(%dma_wait3A_826 : memref<128x128xf32, #tpu.memory_space<hbm>>)
      %add3A_831 = arith.constant 3 : i32
      %add3A_832 = arith.addi %add3A_775, %add3A_831 : i32
      %dma_start3A_833 = arith.constant 2 : i32
      %dma_start3A_834 = arith.constant 2 : i32
      %dma_start3A_835 = arith.constant 0 : i32
      %dma_start3A_836 = arith.constant 0 : i32
      %dma_start3A_837 = tpu.memref_slice %arg6[%dma_start3A_833, %dma_start3A_835, %dma_start3A_836] : memref<6x128x128xf32, #tpu.memory_space<vmem>> -> memref<1x128x128xf32, #tpu.memory_space<vmem>>
      %dma_start3A_838 = tpu.memref_squeeze %dma_start3A_837 : memref<1x128x128xf32, #tpu.memory_space<vmem>> -> memref<128x128xf32, #tpu.memory_space<vmem>>
      %dma_start3A_839 = arith.constant 0 : i32
      %dma_start3A_840 = tpu.memref_slice %arg5[%add3A_832, %dma_start3A_839] : memref<100x128xi32, #tpu.memory_space<vmem>> -> memref<1x128xi32, #tpu.memory_space<vmem>>
      %dma_start3A_841 = tpu.memref_squeeze %dma_start3A_840 : memref<1x128xi32, #tpu.memory_space<vmem>> -> memref<128xi32, #tpu.memory_space<vmem>>
      %dma_start3A_842 = arith.constant 0 : i32
      %dma_start3A_843 = arith.constant 0 : i32
      %dma_start3A_844 = tpu.memref_slice %arg3[%dma_start3A_842, %dma_start3A_843] : memref<28996x128xf32, #tpu.memory_space<hbm>> -> memref<28996x128xf32, #tpu.memory_space<hbm>>
      %dma_start3A_845 = tpu.memref_slice %arg7[%dma_start3A_834] : memref<6x!tpu.dma_semaphore, #tpu.memory_space<semaphore_mem>> -> memref<1x!tpu.dma_semaphore, #tpu.memory_space<semaphore_mem>>
      %dma_start3A_846 = tpu.memref_squeeze %dma_start3A_845 : memref<1x!tpu.dma_semaphore, #tpu.memory_space<semaphore_mem>> -> memref<!tpu.dma_semaphore, #tpu.memory_space<semaphore_mem>>
      tpu.enqueue_indirect_dma source(%dma_start3A_844 : memref<28996x128xf32, #tpu.memory_space<hbm>>) target(%dma_start3A_838 : memref<128x128xf32, #tpu.memory_space<vmem>>) offsets(%dma_start3A_841 : memref<128xi32, #tpu.memory_space<vmem>>) semaphore(%dma_start3A_846 : memref<!tpu.dma_semaphore, #tpu.memory_space<semaphore_mem>>)
      %add3A_847 = arith.constant 2 : i32
      %add3A_848 = arith.addi %add3A_700, %add3A_847 : i32
      %dma_wait3A_849 = arith.constant 0 : i32
      %dma_wait3A_850 = arith.constant 0 : i32
      %dma_wait3A_851 = arith.constant 0 : i32
      %dma_wait3A_852 = arith.constant 0 : i32
      %dma_wait3A_853 = tpu.memref_slice %arg6[%dma_wait3A_849, %dma_wait3A_851, %dma_wait3A_852] : memref<6x128x128xf32, #tpu.memory_space<vmem>> -> memref<1x128x128xf32, #tpu.memory_space<vmem>>
      %dma_wait3A_854 = tpu.memref_squeeze %dma_wait3A_853 : memref<1x128x128xf32, #tpu.memory_space<vmem>> -> memref<128x128xf32, #tpu.memory_space<vmem>>
      %dma_wait3A_855 = arith.constant 0 : i32
      %dma_wait3A_856 = arith.constant 0 : i32
      %dma_wait3A_857 = tpu.memref_slice %arg3[%dma_wait3A_855, %dma_wait3A_856] : memref<28996x128xf32, #tpu.memory_space<hbm>> -> memref<128x128xf32, #tpu.memory_space<hbm>>
      %dma_wait3A_858 = tpu.memref_slice %arg7[%dma_wait3A_850] : memref<6x!tpu.dma_semaphore, #tpu.memory_space<semaphore_mem>> -> memref<1x!tpu.dma_semaphore, #tpu.memory_space<semaphore_mem>>
      %dma_wait3A_859 = tpu.memref_squeeze %dma_wait3A_858 : memref<1x!tpu.dma_semaphore, #tpu.memory_space<semaphore_mem>> -> memref<!tpu.dma_semaphore, #tpu.memory_space<semaphore_mem>>
      %dma_wait3A_860 = arith.constant 0 : i32
      %dma_wait3A_861 = arith.constant 0 : i32
      %dma_wait3A_862 = tpu.memref_slice %arg6[%dma_wait3A_849, %dma_wait3A_860, %dma_wait3A_861] : memref<6x128x128xf32, #tpu.memory_space<vmem>> -> memref<1x128x128xf32, #tpu.memory_space<vmem>>
      %dma_wait3A_863 = tpu.memref_squeeze %dma_wait3A_862 : memref<1x128x128xf32, #tpu.memory_space<vmem>> -> memref<128x128xf32, #tpu.memory_space<vmem>>
      %dma_wait3A_864 = arith.constant 0 : i32
      %dma_wait3A_865 = arith.constant 0 : i32
      %dma_wait3A_866 = tpu.memref_slice %arg3[%dma_wait3A_864, %dma_wait3A_865] : memref<28996x128xf32, #tpu.memory_space<hbm>> -> memref<128x128xf32, #tpu.memory_space<hbm>>
      tpu.wait_dma2 semaphore(%dma_wait3A_859 : memref<!tpu.dma_semaphore, #tpu.memory_space<semaphore_mem>>) src(%dma_wait3A_866 : memref<128x128xf32, #tpu.memory_space<hbm>>) dst(%dma_wait3A_863 : memref<128x128xf32, #tpu.memory_space<vmem>>)
      %mul3A_867 = arith.constant 128 : i32
      %mul3A_868 = arith.muli %add3A_848, %mul3A_867 : i32
      %add3A_869 = arith.addi %mul3A_2, %mul3A_868 : i32
      %dma_start3A_870 = arith.constant 0 : i32
      %dma_start3A_871 = arith.constant 0 : i32
      %dma_start3A_872 = arith.constant 0 : i32
      %dma_start3A_873 = arith.constant 0 : i32
      %dma_start3A_874 = tpu.memref_slice %arg6[%dma_start3A_870, %dma_start3A_872, %dma_start3A_873] : memref<6x128x128xf32, #tpu.memory_space<vmem>> -> memref<1x128x128xf32, #tpu.memory_space<vmem>>
      %dma_start3A_875 = tpu.memref_squeeze %dma_start3A_874 : memref<1x128x128xf32, #tpu.memory_space<vmem>> -> memref<128x128xf32, #tpu.memory_space<vmem>>
      %dma_start3A_876 = arith.constant 0 : i32
      %dma_start3A_877 = tpu.memref_slice %arg4[%add3A_869, %dma_start3A_876] : memref<409600x128xf32, #tpu.memory_space<hbm>> -> memref<128x128xf32, #tpu.memory_space<hbm>>
      %dma_start3A_878 = tpu.memref_slice %arg8[%dma_start3A_871] : memref<6x!tpu.dma_semaphore, #tpu.memory_space<semaphore_mem>> -> memref<1x!tpu.dma_semaphore, #tpu.memory_space<semaphore_mem>>
      %dma_start3A_879 = tpu.memref_squeeze %dma_start3A_878 : memref<1x!tpu.dma_semaphore, #tpu.memory_space<semaphore_mem>> -> memref<!tpu.dma_semaphore, #tpu.memory_space<semaphore_mem>>
      %dma_start3A_880 = arith.constant 0 : i32
      %dma_start3A_881 = tpu.memref_slice %arg4[%add3A_869, %dma_start3A_880] : memref<409600x128xf32, #tpu.memory_space<hbm>> -> memref<128x128xf32, #tpu.memory_space<hbm>>
      %dma_start3A_882 = arith.constant 0 : i32
      %dma_start3A_883 = arith.constant 0 : i32
      %dma_start3A_884 = tpu.memref_slice %arg6[%dma_start3A_870, %dma_start3A_882, %dma_start3A_883] : memref<6x128x128xf32, #tpu.memory_space<vmem>> -> memref<1x128x128xf32, #tpu.memory_space<vmem>>
      %dma_start3A_885 = tpu.memref_squeeze %dma_start3A_884 : memref<1x128x128xf32, #tpu.memory_space<vmem>> -> memref<128x128xf32, #tpu.memory_space<vmem>>
      tpu.enqueue_dma source(%dma_start3A_885 : memref<128x128xf32, #tpu.memory_space<vmem>>) target(%dma_start3A_881 : memref<128x128xf32, #tpu.memory_space<hbm>>) target_semaphore(%dma_start3A_879 : memref<!tpu.dma_semaphore, #tpu.memory_space<semaphore_mem>>)
      %dma_wait3A_886 = arith.constant 3 : i32
      %dma_wait3A_887 = arith.constant 3 : i32
      %dma_wait3A_888 = arith.constant 0 : i32
      %dma_wait3A_889 = arith.constant 0 : i32
      %dma_wait3A_890 = tpu.memref_slice %arg6[%dma_wait3A_886, %dma_wait3A_888, %dma_wait3A_889] : memref<6x128x128xf32, #tpu.memory_space<vmem>> -> memref<1x128x128xf32, #tpu.memory_space<vmem>>
      %dma_wait3A_891 = tpu.memref_squeeze %dma_wait3A_890 : memref<1x128x128xf32, #tpu.memory_space<vmem>> -> memref<128x128xf32, #tpu.memory_space<vmem>>
      %dma_wait3A_892 = arith.constant 0 : i32
      %dma_wait3A_893 = arith.constant 0 : i32
      %dma_wait3A_894 = tpu.memref_slice %arg4[%dma_wait3A_892, %dma_wait3A_893] : memref<409600x128xf32, #tpu.memory_space<hbm>> -> memref<128x128xf32, #tpu.memory_space<hbm>>
      %dma_wait3A_895 = tpu.memref_slice %arg8[%dma_wait3A_887] : memref<6x!tpu.dma_semaphore, #tpu.memory_space<semaphore_mem>> -> memref<1x!tpu.dma_semaphore, #tpu.memory_space<semaphore_mem>>
      %dma_wait3A_896 = tpu.memref_squeeze %dma_wait3A_895 : memref<1x!tpu.dma_semaphore, #tpu.memory_space<semaphore_mem>> -> memref<!tpu.dma_semaphore, #tpu.memory_space<semaphore_mem>>
      %dma_wait3A_897 = arith.constant 0 : i32
      %dma_wait3A_898 = arith.constant 0 : i32
      %dma_wait3A_899 = tpu.memref_slice %arg4[%dma_wait3A_897, %dma_wait3A_898] : memref<409600x128xf32, #tpu.memory_space<hbm>> -> memref<128x128xf32, #tpu.memory_space<hbm>>
      %dma_wait3A_900 = arith.constant 0 : i32
      %dma_wait3A_901 = arith.constant 0 : i32
      %dma_wait3A_902 = tpu.memref_slice %arg6[%dma_wait3A_886, %dma_wait3A_900, %dma_wait3A_901] : memref<6x128x128xf32, #tpu.memory_space<vmem>> -> memref<1x128x128xf32, #tpu.memory_space<vmem>>
      %dma_wait3A_903 = tpu.memref_squeeze %dma_wait3A_902 : memref<1x128x128xf32, #tpu.memory_space<vmem>> -> memref<128x128xf32, #tpu.memory_space<vmem>>
      tpu.wait_dma2 semaphore(%dma_wait3A_896 : memref<!tpu.dma_semaphore, #tpu.memory_space<semaphore_mem>>) src(%dma_wait3A_903 : memref<128x128xf32, #tpu.memory_space<vmem>>) dst(%dma_wait3A_899 : memref<128x128xf32, #tpu.memory_space<hbm>>)
      %add3A_904 = arith.constant 3 : i32
      %add3A_905 = arith.addi %add3A_848, %add3A_904 : i32
      %dma_start3A_906 = arith.constant 3 : i32
      %dma_start3A_907 = arith.constant 3 : i32
      %dma_start3A_908 = arith.constant 0 : i32
      %dma_start3A_909 = arith.constant 0 : i32
      %dma_start3A_910 = tpu.memref_slice %arg6[%dma_start3A_906, %dma_start3A_908, %dma_start3A_909] : memref<6x128x128xf32, #tpu.memory_space<vmem>> -> memref<1x128x128xf32, #tpu.memory_space<vmem>>
      %dma_start3A_911 = tpu.memref_squeeze %dma_start3A_910 : memref<1x128x128xf32, #tpu.memory_space<vmem>> -> memref<128x128xf32, #tpu.memory_space<vmem>>
      %dma_start3A_912 = arith.constant 0 : i32
      %dma_start3A_913 = tpu.memref_slice %arg5[%add3A_905, %dma_start3A_912] : memref<100x128xi32, #tpu.memory_space<vmem>> -> memref<1x128xi32, #tpu.memory_space<vmem>>
      %dma_start3A_914 = tpu.memref_squeeze %dma_start3A_913 : memref<1x128xi32, #tpu.memory_space<vmem>> -> memref<128xi32, #tpu.memory_space<vmem>>
      %dma_start3A_915 = arith.constant 0 : i32
      %dma_start3A_916 = arith.constant 0 : i32
      %dma_start3A_917 = tpu.memref_slice %arg3[%dma_start3A_915, %dma_start3A_916] : memref<28996x128xf32, #tpu.memory_space<hbm>> -> memref<28996x128xf32, #tpu.memory_space<hbm>>
      %dma_start3A_918 = tpu.memref_slice %arg7[%dma_start3A_907] : memref<6x!tpu.dma_semaphore, #tpu.memory_space<semaphore_mem>> -> memref<1x!tpu.dma_semaphore, #tpu.memory_space<semaphore_mem>>
      %dma_start3A_919 = tpu.memref_squeeze %dma_start3A_918 : memref<1x!tpu.dma_semaphore, #tpu.memory_space<semaphore_mem>> -> memref<!tpu.dma_semaphore, #tpu.memory_space<semaphore_mem>>
      tpu.enqueue_indirect_dma source(%dma_start3A_917 : memref<28996x128xf32, #tpu.memory_space<hbm>>) target(%dma_start3A_911 : memref<128x128xf32, #tpu.memory_space<vmem>>) offsets(%dma_start3A_914 : memref<128xi32, #tpu.memory_space<vmem>>) semaphore(%dma_start3A_919 : memref<!tpu.dma_semaphore, #tpu.memory_space<semaphore_mem>>)
      %add3A_920 = arith.constant 3 : i32
      %add3A_921 = arith.addi %add3A_700, %add3A_920 : i32
      %dma_wait3A_922 = arith.constant 1 : i32
      %dma_wait3A_923 = arith.constant 1 : i32
      %dma_wait3A_924 = arith.constant 0 : i32
      %dma_wait3A_925 = arith.constant 0 : i32
      %dma_wait3A_926 = tpu.memref_slice %arg6[%dma_wait3A_922, %dma_wait3A_924, %dma_wait3A_925] : memref<6x128x128xf32, #tpu.memory_space<vmem>> -> memref<1x128x128xf32, #tpu.memory_space<vmem>>
      %dma_wait3A_927 = tpu.memref_squeeze %dma_wait3A_926 : memref<1x128x128xf32, #tpu.memory_space<vmem>> -> memref<128x128xf32, #tpu.memory_space<vmem>>
      %dma_wait3A_928 = arith.constant 0 : i32
      %dma_wait3A_929 = arith.constant 0 : i32
      %dma_wait3A_930 = tpu.memref_slice %arg3[%dma_wait3A_928, %dma_wait3A_929] : memref<28996x128xf32, #tpu.memory_space<hbm>> -> memref<128x128xf32, #tpu.memory_space<hbm>>
      %dma_wait3A_931 = tpu.memref_slice %arg7[%dma_wait3A_923] : memref<6x!tpu.dma_semaphore, #tpu.memory_space<semaphore_mem>> -> memref<1x!tpu.dma_semaphore, #tpu.memory_space<semaphore_mem>>
      %dma_wait3A_932 = tpu.memref_squeeze %dma_wait3A_931 : memref<1x!tpu.dma_semaphore, #tpu.memory_space<semaphore_mem>> -> memref<!tpu.dma_semaphore, #tpu.memory_space<semaphore_mem>>
      %dma_wait3A_933 = arith.constant 0 : i32
      %dma_wait3A_934 = arith.constant 0 : i32
      %dma_wait3A_935 = tpu.memref_slice %arg6[%dma_wait3A_922, %dma_wait3A_933, %dma_wait3A_934] : memref<6x128x128xf32, #tpu.memory_space<vmem>> -> memref<1x128x128xf32, #tpu.memory_space<vmem>>
      %dma_wait3A_936 = tpu.memref_squeeze %dma_wait3A_935 : memref<1x128x128xf32, #tpu.memory_space<vmem>> -> memref<128x128xf32, #tpu.memory_space<vmem>>
      %dma_wait3A_937 = arith.constant 0 : i32
      %dma_wait3A_938 = arith.constant 0 : i32
      %dma_wait3A_939 = tpu.memref_slice %arg3[%dma_wait3A_937, %dma_wait3A_938] : memref<28996x128xf32, #tpu.memory_space<hbm>> -> memref<128x128xf32, #tpu.memory_space<hbm>>
      tpu.wait_dma2 semaphore(%dma_wait3A_932 : memref<!tpu.dma_semaphore, #tpu.memory_space<semaphore_mem>>) src(%dma_wait3A_939 : memref<128x128xf32, #tpu.memory_space<hbm>>) dst(%dma_wait3A_936 : memref<128x128xf32, #tpu.memory_space<vmem>>)
      %mul3A_940 = arith.constant 128 : i32
      %mul3A_941 = arith.muli %add3A_921, %mul3A_940 : i32
      %add3A_942 = arith.addi %mul3A_2, %mul3A_941 : i32
      %dma_start3A_943 = arith.constant 1 : i32
      %dma_start3A_944 = arith.constant 1 : i32
      %dma_start3A_945 = arith.constant 0 : i32
      %dma_start3A_946 = arith.constant 0 : i32
      %dma_start3A_947 = tpu.memref_slice %arg6[%dma_start3A_943, %dma_start3A_945, %dma_start3A_946] : memref<6x128x128xf32, #tpu.memory_space<vmem>> -> memref<1x128x128xf32, #tpu.memory_space<vmem>>
      %dma_start3A_948 = tpu.memref_squeeze %dma_start3A_947 : memref<1x128x128xf32, #tpu.memory_space<vmem>> -> memref<128x128xf32, #tpu.memory_space<vmem>>
      %dma_start3A_949 = arith.constant 0 : i32
      %dma_start3A_950 = tpu.memref_slice %arg4[%add3A_942, %dma_start3A_949] : memref<409600x128xf32, #tpu.memory_space<hbm>> -> memref<128x128xf32, #tpu.memory_space<hbm>>
      %dma_start3A_951 = tpu.memref_slice %arg8[%dma_start3A_944] : memref<6x!tpu.dma_semaphore, #tpu.memory_space<semaphore_mem>> -> memref<1x!tpu.dma_semaphore, #tpu.memory_space<semaphore_mem>>
      %dma_start3A_952 = tpu.memref_squeeze %dma_start3A_951 : memref<1x!tpu.dma_semaphore, #tpu.memory_space<semaphore_mem>> -> memref<!tpu.dma_semaphore, #tpu.memory_space<semaphore_mem>>
      %dma_start3A_953 = arith.constant 0 : i32
      %dma_start3A_954 = tpu.memref_slice %arg4[%add3A_942, %dma_start3A_953] : memref<409600x128xf32, #tpu.memory_space<hbm>> -> memref<128x128xf32, #tpu.memory_space<hbm>>
      %dma_start3A_955 = arith.constant 0 : i32
      %dma_start3A_956 = arith.constant 0 : i32
      %dma_start3A_957 = tpu.memref_slice %arg6[%dma_start3A_943, %dma_start3A_955, %dma_start3A_956] : memref<6x128x128xf32, #tpu.memory_space<vmem>> -> memref<1x128x128xf32, #tpu.memory_space<vmem>>
      %dma_start3A_958 = tpu.memref_squeeze %dma_start3A_957 : memref<1x128x128xf32, #tpu.memory_space<vmem>> -> memref<128x128xf32, #tpu.memory_space<vmem>>
      tpu.enqueue_dma source(%dma_start3A_958 : memref<128x128xf32, #tpu.memory_space<vmem>>) target(%dma_start3A_954 : memref<128x128xf32, #tpu.memory_space<hbm>>) target_semaphore(%dma_start3A_952 : memref<!tpu.dma_semaphore, #tpu.memory_space<semaphore_mem>>)
      %dma_wait3A_959 = arith.constant 4 : i32
      %dma_wait3A_960 = arith.constant 4 : i32
      %dma_wait3A_961 = arith.constant 0 : i32
      %dma_wait3A_962 = arith.constant 0 : i32
      %dma_wait3A_963 = tpu.memref_slice %arg6[%dma_wait3A_959, %dma_wait3A_961, %dma_wait3A_962] : memref<6x128x128xf32, #tpu.memory_space<vmem>> -> memref<1x128x128xf32, #tpu.memory_space<vmem>>
      %dma_wait3A_964 = tpu.memref_squeeze %dma_wait3A_963 : memref<1x128x128xf32, #tpu.memory_space<vmem>> -> memref<128x128xf32, #tpu.memory_space<vmem>>
      %dma_wait3A_965 = arith.constant 0 : i32
      %dma_wait3A_966 = arith.constant 0 : i32
      %dma_wait3A_967 = tpu.memref_slice %arg4[%dma_wait3A_965, %dma_wait3A_966] : memref<409600x128xf32, #tpu.memory_space<hbm>> -> memref<128x128xf32, #tpu.memory_space<hbm>>
      %dma_wait3A_968 = tpu.memref_slice %arg8[%dma_wait3A_960] : memref<6x!tpu.dma_semaphore, #tpu.memory_space<semaphore_mem>> -> memref<1x!tpu.dma_semaphore, #tpu.memory_space<semaphore_mem>>
      %dma_wait3A_969 = tpu.memref_squeeze %dma_wait3A_968 : memref<1x!tpu.dma_semaphore, #tpu.memory_space<semaphore_mem>> -> memref<!tpu.dma_semaphore, #tpu.memory_space<semaphore_mem>>
      %dma_wait3A_970 = arith.constant 0 : i32
      %dma_wait3A_971 = arith.constant 0 : i32
      %dma_wait3A_972 = tpu.memref_slice %arg4[%dma_wait3A_970, %dma_wait3A_971] : memref<409600x128xf32, #tpu.memory_space<hbm>> -> memref<128x128xf32, #tpu.memory_space<hbm>>
      %dma_wait3A_973 = arith.constant 0 : i32
      %dma_wait3A_974 = arith.constant 0 : i32
      %dma_wait3A_975 = tpu.memref_slice %arg6[%dma_wait3A_959, %dma_wait3A_973, %dma_wait3A_974] : memref<6x128x128xf32, #tpu.memory_space<vmem>> -> memref<1x128x128xf32, #tpu.memory_space<vmem>>
      %dma_wait3A_976 = tpu.memref_squeeze %dma_wait3A_975 : memref<1x128x128xf32, #tpu.memory_space<vmem>> -> memref<128x128xf32, #tpu.memory_space<vmem>>
      tpu.wait_dma2 semaphore(%dma_wait3A_969 : memref<!tpu.dma_semaphore, #tpu.memory_space<semaphore_mem>>) src(%dma_wait3A_976 : memref<128x128xf32, #tpu.memory_space<vmem>>) dst(%dma_wait3A_972 : memref<128x128xf32, #tpu.memory_space<hbm>>)
      %add3A_977 = arith.constant 3 : i32
      %add3A_978 = arith.addi %add3A_921, %add3A_977 : i32
      %dma_start3A_979 = arith.constant 4 : i32
      %dma_start3A_980 = arith.constant 4 : i32
      %dma_start3A_981 = arith.constant 0 : i32
      %dma_start3A_982 = arith.constant 0 : i32
      %dma_start3A_983 = tpu.memref_slice %arg6[%dma_start3A_979, %dma_start3A_981, %dma_start3A_982] : memref<6x128x128xf32, #tpu.memory_space<vmem>> -> memref<1x128x128xf32, #tpu.memory_space<vmem>>
      %dma_start3A_984 = tpu.memref_squeeze %dma_start3A_983 : memref<1x128x128xf32, #tpu.memory_space<vmem>> -> memref<128x128xf32, #tpu.memory_space<vmem>>
      %dma_start3A_985 = arith.constant 0 : i32
      %dma_start3A_986 = tpu.memref_slice %arg5[%add3A_978, %dma_start3A_985] : memref<100x128xi32, #tpu.memory_space<vmem>> -> memref<1x128xi32, #tpu.memory_space<vmem>>
      %dma_start3A_987 = tpu.memref_squeeze %dma_start3A_986 : memref<1x128xi32, #tpu.memory_space<vmem>> -> memref<128xi32, #tpu.memory_space<vmem>>
      %dma_start3A_988 = arith.constant 0 : i32
      %dma_start3A_989 = arith.constant 0 : i32
      %dma_start3A_990 = tpu.memref_slice %arg3[%dma_start3A_988, %dma_start3A_989] : memref<28996x128xf32, #tpu.memory_space<hbm>> -> memref<28996x128xf32, #tpu.memory_space<hbm>>
      %dma_start3A_991 = tpu.memref_slice %arg7[%dma_start3A_980] : memref<6x!tpu.dma_semaphore, #tpu.memory_space<semaphore_mem>> -> memref<1x!tpu.dma_semaphore, #tpu.memory_space<semaphore_mem>>
      %dma_start3A_992 = tpu.memref_squeeze %dma_start3A_991 : memref<1x!tpu.dma_semaphore, #tpu.memory_space<semaphore_mem>> -> memref<!tpu.dma_semaphore, #tpu.memory_space<semaphore_mem>>
      tpu.enqueue_indirect_dma source(%dma_start3A_990 : memref<28996x128xf32, #tpu.memory_space<hbm>>) target(%dma_start3A_984 : memref<128x128xf32, #tpu.memory_space<vmem>>) offsets(%dma_start3A_987 : memref<128xi32, #tpu.memory_space<vmem>>) semaphore(%dma_start3A_992 : memref<!tpu.dma_semaphore, #tpu.memory_space<semaphore_mem>>)
      %add3A_993 = arith.constant 4 : i32
      %add3A_994 = arith.addi %add3A_700, %add3A_993 : i32
      %dma_wait3A_995 = arith.constant 2 : i32
      %dma_wait3A_996 = arith.constant 2 : i32
      %dma_wait3A_997 = arith.constant 0 : i32
      %dma_wait3A_998 = arith.constant 0 : i32
      %dma_wait3A_999 = tpu.memref_slice %arg6[%dma_wait3A_995, %dma_wait3A_997, %dma_wait3A_998] : memref<6x128x128xf32, #tpu.memory_space<vmem>> -> memref<1x128x128xf32, #tpu.memory_space<vmem>>
      %dma_wait3A_1000 = tpu.memref_squeeze %dma_wait3A_999 : memref<1x128x128xf32, #tpu.memory_space<vmem>> -> memref<128x128xf32, #tpu.memory_space<vmem>>
      %dma_wait3A_1001 = arith.constant 0 : i32
      %dma_wait3A_1002 = arith.constant 0 : i32
      %dma_wait3A_1003 = tpu.memref_slice %arg3[%dma_wait3A_1001, %dma_wait3A_1002] : memref<28996x128xf32, #tpu.memory_space<hbm>> -> memref<128x128xf32, #tpu.memory_space<hbm>>
      %dma_wait3A_1004 = tpu.memref_slice %arg7[%dma_wait3A_996] : memref<6x!tpu.dma_semaphore, #tpu.memory_space<semaphore_mem>> -> memref<1x!tpu.dma_semaphore, #tpu.memory_space<semaphore_mem>>
      %dma_wait3A_1005 = tpu.memref_squeeze %dma_wait3A_1004 : memref<1x!tpu.dma_semaphore, #tpu.memory_space<semaphore_mem>> -> memref<!tpu.dma_semaphore, #tpu.memory_space<semaphore_mem>>
      %dma_wait3A_1006 = arith.constant 0 : i32
      %dma_wait3A_1007 = arith.constant 0 : i32
      %dma_wait3A_1008 = tpu.memref_slice %arg6[%dma_wait3A_995, %dma_wait3A_1006, %dma_wait3A_1007] : memref<6x128x128xf32, #tpu.memory_space<vmem>> -> memref<1x128x128xf32, #tpu.memory_space<vmem>>
      %dma_wait3A_1009 = tpu.memref_squeeze %dma_wait3A_1008 : memref<1x128x128xf32, #tpu.memory_space<vmem>> -> memref<128x128xf32, #tpu.memory_space<vmem>>
      %dma_wait3A_1010 = arith.constant 0 : i32
      %dma_wait3A_1011 = arith.constant 0 : i32
      %dma_wait3A_1012 = tpu.memref_slice %arg3[%dma_wait3A_1010, %dma_wait3A_1011] : memref<28996x128xf32, #tpu.memory_space<hbm>> -> memref<128x128xf32, #tpu.memory_space<hbm>>
      tpu.wait_dma2 semaphore(%dma_wait3A_1005 : memref<!tpu.dma_semaphore, #tpu.memory_space<semaphore_mem>>) src(%dma_wait3A_1012 : memref<128x128xf32, #tpu.memory_space<hbm>>) dst(%dma_wait3A_1009 : memref<128x128xf32, #tpu.memory_space<vmem>>)
      %mul3A_1013 = arith.constant 128 : i32
      %mul3A_1014 = arith.muli %add3A_994, %mul3A_1013 : i32
      %add3A_1015 = arith.addi %mul3A_2, %mul3A_1014 : i32
      %dma_start3A_1016 = arith.constant 2 : i32
      %dma_start3A_1017 = arith.constant 2 : i32
      %dma_start3A_1018 = arith.constant 0 : i32
      %dma_start3A_1019 = arith.constant 0 : i32
      %dma_start3A_1020 = tpu.memref_slice %arg6[%dma_start3A_1016, %dma_start3A_1018, %dma_start3A_1019] : memref<6x128x128xf32, #tpu.memory_space<vmem>> -> memref<1x128x128xf32, #tpu.memory_space<vmem>>
      %dma_start3A_1021 = tpu.memref_squeeze %dma_start3A_1020 : memref<1x128x128xf32, #tpu.memory_space<vmem>> -> memref<128x128xf32, #tpu.memory_space<vmem>>
      %dma_start3A_1022 = arith.constant 0 : i32
      %dma_start3A_1023 = tpu.memref_slice %arg4[%add3A_1015, %dma_start3A_1022] : memref<409600x128xf32, #tpu.memory_space<hbm>> -> memref<128x128xf32, #tpu.memory_space<hbm>>
      %dma_start3A_1024 = tpu.memref_slice %arg8[%dma_start3A_1017] : memref<6x!tpu.dma_semaphore, #tpu.memory_space<semaphore_mem>> -> memref<1x!tpu.dma_semaphore, #tpu.memory_space<semaphore_mem>>
      %dma_start3A_1025 = tpu.memref_squeeze %dma_start3A_1024 : memref<1x!tpu.dma_semaphore, #tpu.memory_space<semaphore_mem>> -> memref<!tpu.dma_semaphore, #tpu.memory_space<semaphore_mem>>
      %dma_start3A_1026 = arith.constant 0 : i32
      %dma_start3A_1027 = tpu.memref_slice %arg4[%add3A_1015, %dma_start3A_1026] : memref<409600x128xf32, #tpu.memory_space<hbm>> -> memref<128x128xf32, #tpu.memory_space<hbm>>
      %dma_start3A_1028 = arith.constant 0 : i32
      %dma_start3A_1029 = arith.constant 0 : i32
      %dma_start3A_1030 = tpu.memref_slice %arg6[%dma_start3A_1016, %dma_start3A_1028, %dma_start3A_1029] : memref<6x128x128xf32, #tpu.memory_space<vmem>> -> memref<1x128x128xf32, #tpu.memory_space<vmem>>
      %dma_start3A_1031 = tpu.memref_squeeze %dma_start3A_1030 : memref<1x128x128xf32, #tpu.memory_space<vmem>> -> memref<128x128xf32, #tpu.memory_space<vmem>>
      tpu.enqueue_dma source(%dma_start3A_1031 : memref<128x128xf32, #tpu.memory_space<vmem>>) target(%dma_start3A_1027 : memref<128x128xf32, #tpu.memory_space<hbm>>) target_semaphore(%dma_start3A_1025 : memref<!tpu.dma_semaphore, #tpu.memory_space<semaphore_mem>>)
      %dma_wait3A_1032 = arith.constant 5 : i32
      %dma_wait3A_1033 = arith.constant 5 : i32
      %dma_wait3A_1034 = arith.constant 0 : i32
      %dma_wait3A_1035 = arith.constant 0 : i32
      %dma_wait3A_1036 = tpu.memref_slice %arg6[%dma_wait3A_1032, %dma_wait3A_1034, %dma_wait3A_1035] : memref<6x128x128xf32, #tpu.memory_space<vmem>> -> memref<1x128x128xf32, #tpu.memory_space<vmem>>
      %dma_wait3A_1037 = tpu.memref_squeeze %dma_wait3A_1036 : memref<1x128x128xf32, #tpu.memory_space<vmem>> -> memref<128x128xf32, #tpu.memory_space<vmem>>
      %dma_wait3A_1038 = arith.constant 0 : i32
      %dma_wait3A_1039 = arith.constant 0 : i32
      %dma_wait3A_1040 = tpu.memref_slice %arg4[%dma_wait3A_1038, %dma_wait3A_1039] : memref<409600x128xf32, #tpu.memory_space<hbm>> -> memref<128x128xf32, #tpu.memory_space<hbm>>
      %dma_wait3A_1041 = tpu.memref_slice %arg8[%dma_wait3A_1033] : memref<6x!tpu.dma_semaphore, #tpu.memory_space<semaphore_mem>> -> memref<1x!tpu.dma_semaphore, #tpu.memory_space<semaphore_mem>>
      %dma_wait3A_1042 = tpu.memref_squeeze %dma_wait3A_1041 : memref<1x!tpu.dma_semaphore, #tpu.memory_space<semaphore_mem>> -> memref<!tpu.dma_semaphore, #tpu.memory_space<semaphore_mem>>
      %dma_wait3A_1043 = arith.constant 0 : i32
      %dma_wait3A_1044 = arith.constant 0 : i32
      %dma_wait3A_1045 = tpu.memref_slice %arg4[%dma_wait3A_1043, %dma_wait3A_1044] : memref<409600x128xf32, #tpu.memory_space<hbm>> -> memref<128x128xf32, #tpu.memory_space<hbm>>
      %dma_wait3A_1046 = arith.constant 0 : i32
      %dma_wait3A_1047 = arith.constant 0 : i32
      %dma_wait3A_1048 = tpu.memref_slice %arg6[%dma_wait3A_1032, %dma_wait3A_1046, %dma_wait3A_1047] : memref<6x128x128xf32, #tpu.memory_space<vmem>> -> memref<1x128x128xf32, #tpu.memory_space<vmem>>
      %dma_wait3A_1049 = tpu.memref_squeeze %dma_wait3A_1048 : memref<1x128x128xf32, #tpu.memory_space<vmem>> -> memref<128x128xf32, #tpu.memory_space<vmem>>
      tpu.wait_dma2 semaphore(%dma_wait3A_1042 : memref<!tpu.dma_semaphore, #tpu.memory_space<semaphore_mem>>) src(%dma_wait3A_1049 : memref<128x128xf32, #tpu.memory_space<vmem>>) dst(%dma_wait3A_1045 : memref<128x128xf32, #tpu.memory_space<hbm>>)
      %add3A_1050 = arith.constant 3 : i32
      %add3A_1051 = arith.addi %add3A_994, %add3A_1050 : i32
      %dma_start3A_1052 = arith.constant 5 : i32
      %dma_start3A_1053 = arith.constant 5 : i32
      %dma_start3A_1054 = arith.constant 0 : i32
      %dma_start3A_1055 = arith.constant 0 : i32
      %dma_start3A_1056 = tpu.memref_slice %arg6[%dma_start3A_1052, %dma_start3A_1054, %dma_start3A_1055] : memref<6x128x128xf32, #tpu.memory_space<vmem>> -> memref<1x128x128xf32, #tpu.memory_space<vmem>>
      %dma_start3A_1057 = tpu.memref_squeeze %dma_start3A_1056 : memref<1x128x128xf32, #tpu.memory_space<vmem>> -> memref<128x128xf32, #tpu.memory_space<vmem>>
      %dma_start3A_1058 = arith.constant 0 : i32
      %dma_start3A_1059 = tpu.memref_slice %arg5[%add3A_1051, %dma_start3A_1058] : memref<100x128xi32, #tpu.memory_space<vmem>> -> memref<1x128xi32, #tpu.memory_space<vmem>>
      %dma_start3A_1060 = tpu.memref_squeeze %dma_start3A_1059 : memref<1x128xi32, #tpu.memory_space<vmem>> -> memref<128xi32, #tpu.memory_space<vmem>>
      %dma_start3A_1061 = arith.constant 0 : i32
      %dma_start3A_1062 = arith.constant 0 : i32
      %dma_start3A_1063 = tpu.memref_slice %arg3[%dma_start3A_1061, %dma_start3A_1062] : memref<28996x128xf32, #tpu.memory_space<hbm>> -> memref<28996x128xf32, #tpu.memory_space<hbm>>
      %dma_start3A_1064 = tpu.memref_slice %arg7[%dma_start3A_1053] : memref<6x!tpu.dma_semaphore, #tpu.memory_space<semaphore_mem>> -> memref<1x!tpu.dma_semaphore, #tpu.memory_space<semaphore_mem>>
      %dma_start3A_1065 = tpu.memref_squeeze %dma_start3A_1064 : memref<1x!tpu.dma_semaphore, #tpu.memory_space<semaphore_mem>> -> memref<!tpu.dma_semaphore, #tpu.memory_space<semaphore_mem>>
      tpu.enqueue_indirect_dma source(%dma_start3A_1063 : memref<28996x128xf32, #tpu.memory_space<hbm>>) target(%dma_start3A_1057 : memref<128x128xf32, #tpu.memory_space<vmem>>) offsets(%dma_start3A_1060 : memref<128xi32, #tpu.memory_space<vmem>>) semaphore(%dma_start3A_1065 : memref<!tpu.dma_semaphore, #tpu.memory_space<semaphore_mem>>)
      %add3A_1066 = arith.constant 5 : i32
      %add3A_1067 = arith.addi %add3A_700, %add3A_1066 : i32
      %dma_wait3A_1068 = arith.constant 3 : i32
      %dma_wait3A_1069 = arith.constant 3 : i32
      %dma_wait3A_1070 = arith.constant 0 : i32
      %dma_wait3A_1071 = arith.constant 0 : i32
      %dma_wait3A_1072 = tpu.memref_slice %arg6[%dma_wait3A_1068, %dma_wait3A_1070, %dma_wait3A_1071] : memref<6x128x128xf32, #tpu.memory_space<vmem>> -> memref<1x128x128xf32, #tpu.memory_space<vmem>>
      %dma_wait3A_1073 = tpu.memref_squeeze %dma_wait3A_1072 : memref<1x128x128xf32, #tpu.memory_space<vmem>> -> memref<128x128xf32, #tpu.memory_space<vmem>>
      %dma_wait3A_1074 = arith.constant 0 : i32
      %dma_wait3A_1075 = arith.constant 0 : i32
      %dma_wait3A_1076 = tpu.memref_slice %arg3[%dma_wait3A_1074, %dma_wait3A_1075] : memref<28996x128xf32, #tpu.memory_space<hbm>> -> memref<128x128xf32, #tpu.memory_space<hbm>>
      %dma_wait3A_1077 = tpu.memref_slice %arg7[%dma_wait3A_1069] : memref<6x!tpu.dma_semaphore, #tpu.memory_space<semaphore_mem>> -> memref<1x!tpu.dma_semaphore, #tpu.memory_space<semaphore_mem>>
      %dma_wait3A_1078 = tpu.memref_squeeze %dma_wait3A_1077 : memref<1x!tpu.dma_semaphore, #tpu.memory_space<semaphore_mem>> -> memref<!tpu.dma_semaphore, #tpu.memory_space<semaphore_mem>>
      %dma_wait3A_1079 = arith.constant 0 : i32
      %dma_wait3A_1080 = arith.constant 0 : i32
      %dma_wait3A_1081 = tpu.memref_slice %arg6[%dma_wait3A_1068, %dma_wait3A_1079, %dma_wait3A_1080] : memref<6x128x128xf32, #tpu.memory_space<vmem>> -> memref<1x128x128xf32, #tpu.memory_space<vmem>>
      %dma_wait3A_1082 = tpu.memref_squeeze %dma_wait3A_1081 : memref<1x128x128xf32, #tpu.memory_space<vmem>> -> memref<128x128xf32, #tpu.memory_space<vmem>>
      %dma_wait3A_1083 = arith.constant 0 : i32
      %dma_wait3A_1084 = arith.constant 0 : i32
      %dma_wait3A_1085 = tpu.memref_slice %arg3[%dma_wait3A_1083, %dma_wait3A_1084] : memref<28996x128xf32, #tpu.memory_space<hbm>> -> memref<128x128xf32, #tpu.memory_space<hbm>>
      tpu.wait_dma2 semaphore(%dma_wait3A_1078 : memref<!tpu.dma_semaphore, #tpu.memory_space<semaphore_mem>>) src(%dma_wait3A_1085 : memref<128x128xf32, #tpu.memory_space<hbm>>) dst(%dma_wait3A_1082 : memref<128x128xf32, #tpu.memory_space<vmem>>)
      %mul3A_1086 = arith.constant 128 : i32
      %mul3A_1087 = arith.muli %add3A_1067, %mul3A_1086 : i32
      %add3A_1088 = arith.addi %mul3A_2, %mul3A_1087 : i32
      %dma_start3A_1089 = arith.constant 3 : i32
      %dma_start3A_1090 = arith.constant 3 : i32
      %dma_start3A_1091 = arith.constant 0 : i32
      %dma_start3A_1092 = arith.constant 0 : i32
      %dma_start3A_1093 = tpu.memref_slice %arg6[%dma_start3A_1089, %dma_start3A_1091, %dma_start3A_1092] : memref<6x128x128xf32, #tpu.memory_space<vmem>> -> memref<1x128x128xf32, #tpu.memory_space<vmem>>
      %dma_start3A_1094 = tpu.memref_squeeze %dma_start3A_1093 : memref<1x128x128xf32, #tpu.memory_space<vmem>> -> memref<128x128xf32, #tpu.memory_space<vmem>>
      %dma_start3A_1095 = arith.constant 0 : i32
      %dma_start3A_1096 = tpu.memref_slice %arg4[%add3A_1088, %dma_start3A_1095] : memref<409600x128xf32, #tpu.memory_space<hbm>> -> memref<128x128xf32, #tpu.memory_space<hbm>>
      %dma_start3A_1097 = tpu.memref_slice %arg8[%dma_start3A_1090] : memref<6x!tpu.dma_semaphore, #tpu.memory_space<semaphore_mem>> -> memref<1x!tpu.dma_semaphore, #tpu.memory_space<semaphore_mem>>
      %dma_start3A_1098 = tpu.memref_squeeze %dma_start3A_1097 : memref<1x!tpu.dma_semaphore, #tpu.memory_space<semaphore_mem>> -> memref<!tpu.dma_semaphore, #tpu.memory_space<semaphore_mem>>
      %dma_start3A_1099 = arith.constant 0 : i32
      %dma_start3A_1100 = tpu.memref_slice %arg4[%add3A_1088, %dma_start3A_1099] : memref<409600x128xf32, #tpu.memory_space<hbm>> -> memref<128x128xf32, #tpu.memory_space<hbm>>
      %dma_start3A_1101 = arith.constant 0 : i32
      %dma_start3A_1102 = arith.constant 0 : i32
      %dma_start3A_1103 = tpu.memref_slice %arg6[%dma_start3A_1089, %dma_start3A_1101, %dma_start3A_1102] : memref<6x128x128xf32, #tpu.memory_space<vmem>> -> memref<1x128x128xf32, #tpu.memory_space<vmem>>
      %dma_start3A_1104 = tpu.memref_squeeze %dma_start3A_1103 : memref<1x128x128xf32, #tpu.memory_space<vmem>> -> memref<128x128xf32, #tpu.memory_space<vmem>>
      tpu.enqueue_dma source(%dma_start3A_1104 : memref<128x128xf32, #tpu.memory_space<vmem>>) target(%dma_start3A_1100 : memref<128x128xf32, #tpu.memory_space<hbm>>) target_semaphore(%dma_start3A_1098 : memref<!tpu.dma_semaphore, #tpu.memory_space<semaphore_mem>>)
      %dma_wait3A_1105 = arith.constant 0 : i32
      %dma_wait3A_1106 = arith.constant 0 : i32
      %dma_wait3A_1107 = arith.constant 0 : i32
      %dma_wait3A_1108 = arith.constant 0 : i32
      %dma_wait3A_1109 = tpu.memref_slice %arg6[%dma_wait3A_1105, %dma_wait3A_1107, %dma_wait3A_1108] : memref<6x128x128xf32, #tpu.memory_space<vmem>> -> memref<1x128x128xf32, #tpu.memory_space<vmem>>
      %dma_wait3A_1110 = tpu.memref_squeeze %dma_wait3A_1109 : memref<1x128x128xf32, #tpu.memory_space<vmem>> -> memref<128x128xf32, #tpu.memory_space<vmem>>
      %dma_wait3A_1111 = arith.constant 0 : i32
      %dma_wait3A_1112 = arith.constant 0 : i32
      %dma_wait3A_1113 = tpu.memref_slice %arg4[%dma_wait3A_1111, %dma_wait3A_1112] : memref<409600x128xf32, #tpu.memory_space<hbm>> -> memref<128x128xf32, #tpu.memory_space<hbm>>
      %dma_wait3A_1114 = tpu.memref_slice %arg8[%dma_wait3A_1106] : memref<6x!tpu.dma_semaphore, #tpu.memory_space<semaphore_mem>> -> memref<1x!tpu.dma_semaphore, #tpu.memory_space<semaphore_mem>>
      %dma_wait3A_1115 = tpu.memref_squeeze %dma_wait3A_1114 : memref<1x!tpu.dma_semaphore, #tpu.memory_space<semaphore_mem>> -> memref<!tpu.dma_semaphore, #tpu.memory_space<semaphore_mem>>
      %dma_wait3A_1116 = arith.constant 0 : i32
      %dma_wait3A_1117 = arith.constant 0 : i32
      %dma_wait3A_1118 = tpu.memref_slice %arg4[%dma_wait3A_1116, %dma_wait3A_1117] : memref<409600x128xf32, #tpu.memory_space<hbm>> -> memref<128x128xf32, #tpu.memory_space<hbm>>
      %dma_wait3A_1119 = arith.constant 0 : i32
      %dma_wait3A_1120 = arith.constant 0 : i32
      %dma_wait3A_1121 = tpu.memref_slice %arg6[%dma_wait3A_1105, %dma_wait3A_1119, %dma_wait3A_1120] : memref<6x128x128xf32, #tpu.memory_space<vmem>> -> memref<1x128x128xf32, #tpu.memory_space<vmem>>
      %dma_wait3A_1122 = tpu.memref_squeeze %dma_wait3A_1121 : memref<1x128x128xf32, #tpu.memory_space<vmem>> -> memref<128x128xf32, #tpu.memory_space<vmem>>
      tpu.wait_dma2 semaphore(%dma_wait3A_1115 : memref<!tpu.dma_semaphore, #tpu.memory_space<semaphore_mem>>) src(%dma_wait3A_1122 : memref<128x128xf32, #tpu.memory_space<vmem>>) dst(%dma_wait3A_1118 : memref<128x128xf32, #tpu.memory_space<hbm>>)
      %add3A_1123 = arith.constant 3 : i32
      %add3A_1124 = arith.addi %add3A_1067, %add3A_1123 : i32
      %dma_start3A_1125 = arith.constant 0 : i32
      %dma_start3A_1126 = arith.constant 0 : i32
      %dma_start3A_1127 = arith.constant 0 : i32
      %dma_start3A_1128 = arith.constant 0 : i32
      %dma_start3A_1129 = tpu.memref_slice %arg6[%dma_start3A_1125, %dma_start3A_1127, %dma_start3A_1128] : memref<6x128x128xf32, #tpu.memory_space<vmem>> -> memref<1x128x128xf32, #tpu.memory_space<vmem>>
      %dma_start3A_1130 = tpu.memref_squeeze %dma_start3A_1129 : memref<1x128x128xf32, #tpu.memory_space<vmem>> -> memref<128x128xf32, #tpu.memory_space<vmem>>
      %dma_start3A_1131 = arith.constant 0 : i32
      %dma_start3A_1132 = tpu.memref_slice %arg5[%add3A_1124, %dma_start3A_1131] : memref<100x128xi32, #tpu.memory_space<vmem>> -> memref<1x128xi32, #tpu.memory_space<vmem>>
      %dma_start3A_1133 = tpu.memref_squeeze %dma_start3A_1132 : memref<1x128xi32, #tpu.memory_space<vmem>> -> memref<128xi32, #tpu.memory_space<vmem>>
      %dma_start3A_1134 = arith.constant 0 : i32
      %dma_start3A_1135 = arith.constant 0 : i32
      %dma_start3A_1136 = tpu.memref_slice %arg3[%dma_start3A_1134, %dma_start3A_1135] : memref<28996x128xf32, #tpu.memory_space<hbm>> -> memref<28996x128xf32, #tpu.memory_space<hbm>>
      %dma_start3A_1137 = tpu.memref_slice %arg7[%dma_start3A_1126] : memref<6x!tpu.dma_semaphore, #tpu.memory_space<semaphore_mem>> -> memref<1x!tpu.dma_semaphore, #tpu.memory_space<semaphore_mem>>
      %dma_start3A_1138 = tpu.memref_squeeze %dma_start3A_1137 : memref<1x!tpu.dma_semaphore, #tpu.memory_space<semaphore_mem>> -> memref<!tpu.dma_semaphore, #tpu.memory_space<semaphore_mem>>
      tpu.enqueue_indirect_dma source(%dma_start3A_1136 : memref<28996x128xf32, #tpu.memory_space<hbm>>) target(%dma_start3A_1130 : memref<128x128xf32, #tpu.memory_space<vmem>>) offsets(%dma_start3A_1133 : memref<128xi32, #tpu.memory_space<vmem>>) semaphore(%dma_start3A_1138 : memref<!tpu.dma_semaphore, #tpu.memory_space<semaphore_mem>>)
    }
    %scan3A_272 = arith.constant 15 : i32
    %dma_wait3A_273 = arith.constant 4 : i32
    %dma_wait3A_274 = arith.constant 4 : i32
    %dma_wait3A_275 = arith.constant 0 : i32
    %dma_wait3A_276 = arith.constant 0 : i32
    %dma_wait3A_277 = tpu.memref_slice %arg6[%dma_wait3A_273, %dma_wait3A_275, %dma_wait3A_276] : memref<6x128x128xf32, #tpu.memory_space<vmem>> -> memref<1x128x128xf32, #tpu.memory_space<vmem>>
    %dma_wait3A_278 = tpu.memref_squeeze %dma_wait3A_277 : memref<1x128x128xf32, #tpu.memory_space<vmem>> -> memref<128x128xf32, #tpu.memory_space<vmem>>
    %dma_wait3A_279 = arith.constant 0 : i32
    %dma_wait3A_280 = arith.constant 0 : i32
    %dma_wait3A_281 = tpu.memref_slice %arg3[%dma_wait3A_279, %dma_wait3A_280] : memref<28996x128xf32, #tpu.memory_space<hbm>> -> memref<128x128xf32, #tpu.memory_space<hbm>>
    %dma_wait3A_282 = tpu.memref_slice %arg7[%dma_wait3A_274] : memref<6x!tpu.dma_semaphore, #tpu.memory_space<semaphore_mem>> -> memref<1x!tpu.dma_semaphore, #tpu.memory_space<semaphore_mem>>
    %dma_wait3A_283 = tpu.memref_squeeze %dma_wait3A_282 : memref<1x!tpu.dma_semaphore, #tpu.memory_space<semaphore_mem>> -> memref<!tpu.dma_semaphore, #tpu.memory_space<semaphore_mem>>
    %dma_wait3A_284 = arith.constant 0 : i32
    %dma_wait3A_285 = arith.constant 0 : i32
    %dma_wait3A_286 = tpu.memref_slice %arg6[%dma_wait3A_273, %dma_wait3A_284, %dma_wait3A_285] : memref<6x128x128xf32, #tpu.memory_space<vmem>> -> memref<1x128x128xf32, #tpu.memory_space<vmem>>
    %dma_wait3A_287 = tpu.memref_squeeze %dma_wait3A_286 : memref<1x128x128xf32, #tpu.memory_space<vmem>> -> memref<128x128xf32, #tpu.memory_space<vmem>>
    %dma_wait3A_288 = arith.constant 0 : i32
    %dma_wait3A_289 = arith.constant 0 : i32
    %dma_wait3A_290 = tpu.memref_slice %arg3[%dma_wait3A_288, %dma_wait3A_289] : memref<28996x128xf32, #tpu.memory_space<hbm>> -> memref<128x128xf32, #tpu.memory_space<hbm>>
    tpu.wait_dma2 semaphore(%dma_wait3A_283 : memref<!tpu.dma_semaphore, #tpu.memory_space<semaphore_mem>>) src(%dma_wait3A_290 : memref<128x128xf32, #tpu.memory_space<hbm>>) dst(%dma_wait3A_287 : memref<128x128xf32, #tpu.memory_space<vmem>>)
    %add3A_291 = arith.constant 12032 : i32
    %add3A_292 = arith.addi %mul3A_2, %add3A_291 : i32
    %dma_start3A_293 = arith.constant 4 : i32
    %dma_start3A_294 = arith.constant 4 : i32
    %dma_start3A_295 = arith.constant 0 : i32
    %dma_start3A_296 = arith.constant 0 : i32
    %dma_start3A_297 = tpu.memref_slice %arg6[%dma_start3A_293, %dma_start3A_295, %dma_start3A_296] : memref<6x128x128xf32, #tpu.memory_space<vmem>> -> memref<1x128x128xf32, #tpu.memory_space<vmem>>
    %dma_start3A_298 = tpu.memref_squeeze %dma_start3A_297 : memref<1x128x128xf32, #tpu.memory_space<vmem>> -> memref<128x128xf32, #tpu.memory_space<vmem>>
    %dma_start3A_299 = arith.constant 0 : i32
    %dma_start3A_300 = tpu.memref_slice %arg4[%add3A_292, %dma_start3A_299] : memref<409600x128xf32, #tpu.memory_space<hbm>> -> memref<128x128xf32, #tpu.memory_space<hbm>>
    %dma_start3A_301 = tpu.memref_slice %arg8[%dma_start3A_294] : memref<6x!tpu.dma_semaphore, #tpu.memory_space<semaphore_mem>> -> memref<1x!tpu.dma_semaphore, #tpu.memory_space<semaphore_mem>>
    %dma_start3A_302 = tpu.memref_squeeze %dma_start3A_301 : memref<1x!tpu.dma_semaphore, #tpu.memory_space<semaphore_mem>> -> memref<!tpu.dma_semaphore, #tpu.memory_space<semaphore_mem>>
    %dma_start3A_303 = arith.constant 0 : i32
    %dma_start3A_304 = tpu.memref_slice %arg4[%add3A_292, %dma_start3A_303] : memref<409600x128xf32, #tpu.memory_space<hbm>> -> memref<128x128xf32, #tpu.memory_space<hbm>>
    %dma_start3A_305 = arith.constant 0 : i32
    %dma_start3A_306 = arith.constant 0 : i32
    %dma_start3A_307 = tpu.memref_slice %arg6[%dma_start3A_293, %dma_start3A_305, %dma_start3A_306] : memref<6x128x128xf32, #tpu.memory_space<vmem>> -> memref<1x128x128xf32, #tpu.memory_space<vmem>>
    %dma_start3A_308 = tpu.memref_squeeze %dma_start3A_307 : memref<1x128x128xf32, #tpu.memory_space<vmem>> -> memref<128x128xf32, #tpu.memory_space<vmem>>
    tpu.enqueue_dma source(%dma_start3A_308 : memref<128x128xf32, #tpu.memory_space<vmem>>) target(%dma_start3A_304 : memref<128x128xf32, #tpu.memory_space<hbm>>) target_semaphore(%dma_start3A_302 : memref<!tpu.dma_semaphore, #tpu.memory_space<semaphore_mem>>)
    %dma_wait3A_309 = arith.constant 1 : i32
    %dma_wait3A_310 = arith.constant 1 : i32
    %dma_wait3A_311 = arith.constant 0 : i32
    %dma_wait3A_312 = arith.constant 0 : i32
    %dma_wait3A_313 = tpu.memref_slice %arg6[%dma_wait3A_309, %dma_wait3A_311, %dma_wait3A_312] : memref<6x128x128xf32, #tpu.memory_space<vmem>> -> memref<1x128x128xf32, #tpu.memory_space<vmem>>
    %dma_wait3A_314 = tpu.memref_squeeze %dma_wait3A_313 : memref<1x128x128xf32, #tpu.memory_space<vmem>> -> memref<128x128xf32, #tpu.memory_space<vmem>>
    %dma_wait3A_315 = arith.constant 0 : i32
    %dma_wait3A_316 = arith.constant 0 : i32
    %dma_wait3A_317 = tpu.memref_slice %arg4[%dma_wait3A_315, %dma_wait3A_316] : memref<409600x128xf32, #tpu.memory_space<hbm>> -> memref<128x128xf32, #tpu.memory_space<hbm>>
    %dma_wait3A_318 = tpu.memref_slice %arg8[%dma_wait3A_310] : memref<6x!tpu.dma_semaphore, #tpu.memory_space<semaphore_mem>> -> memref<1x!tpu.dma_semaphore, #tpu.memory_space<semaphore_mem>>
    %dma_wait3A_319 = tpu.memref_squeeze %dma_wait3A_318 : memref<1x!tpu.dma_semaphore, #tpu.memory_space<semaphore_mem>> -> memref<!tpu.dma_semaphore, #tpu.memory_space<semaphore_mem>>
    %dma_wait3A_320 = arith.constant 0 : i32
    %dma_wait3A_321 = arith.constant 0 : i32
    %dma_wait3A_322 = tpu.memref_slice %arg4[%dma_wait3A_320, %dma_wait3A_321] : memref<409600x128xf32, #tpu.memory_space<hbm>> -> memref<128x128xf32, #tpu.memory_space<hbm>>
    %dma_wait3A_323 = arith.constant 0 : i32
    %dma_wait3A_324 = arith.constant 0 : i32
    %dma_wait3A_325 = tpu.memref_slice %arg6[%dma_wait3A_309, %dma_wait3A_323, %dma_wait3A_324] : memref<6x128x128xf32, #tpu.memory_space<vmem>> -> memref<1x128x128xf32, #tpu.memory_space<vmem>>
    %dma_wait3A_326 = tpu.memref_squeeze %dma_wait3A_325 : memref<1x128x128xf32, #tpu.memory_space<vmem>> -> memref<128x128xf32, #tpu.memory_space<vmem>>
    tpu.wait_dma2 semaphore(%dma_wait3A_319 : memref<!tpu.dma_semaphore, #tpu.memory_space<semaphore_mem>>) src(%dma_wait3A_326 : memref<128x128xf32, #tpu.memory_space<vmem>>) dst(%dma_wait3A_322 : memref<128x128xf32, #tpu.memory_space<hbm>>)
    %dma_start3A_327 = arith.constant 97 : i32
    %dma_start3A_328 = arith.constant 1 : i32
    %dma_start3A_329 = arith.constant 1 : i32
    %dma_start3A_330 = arith.constant 0 : i32
    %dma_start3A_331 = arith.constant 0 : i32
    %dma_start3A_332 = tpu.memref_slice %arg6[%dma_start3A_328, %dma_start3A_330, %dma_start3A_331] : memref<6x128x128xf32, #tpu.memory_space<vmem>> -> memref<1x128x128xf32, #tpu.memory_space<vmem>>
    %dma_start3A_333 = tpu.memref_squeeze %dma_start3A_332 : memref<1x128x128xf32, #tpu.memory_space<vmem>> -> memref<128x128xf32, #tpu.memory_space<vmem>>
    %dma_start3A_334 = arith.constant 0 : i32
    %dma_start3A_335 = tpu.memref_slice %arg5[%dma_start3A_327, %dma_start3A_334] : memref<100x128xi32, #tpu.memory_space<vmem>> -> memref<1x128xi32, #tpu.memory_space<vmem>>
    %dma_start3A_336 = tpu.memref_squeeze %dma_start3A_335 : memref<1x128xi32, #tpu.memory_space<vmem>> -> memref<128xi32, #tpu.memory_space<vmem>>
    %dma_start3A_337 = arith.constant 0 : i32
    %dma_start3A_338 = arith.constant 0 : i32
    %dma_start3A_339 = tpu.memref_slice %arg3[%dma_start3A_337, %dma_start3A_338] : memref<28996x128xf32, #tpu.memory_space<hbm>> -> memref<28996x128xf32, #tpu.memory_space<hbm>>
    %dma_start3A_340 = tpu.memref_slice %arg7[%dma_start3A_329] : memref<6x!tpu.dma_semaphore, #tpu.memory_space<semaphore_mem>> -> memref<1x!tpu.dma_semaphore, #tpu.memory_space<semaphore_mem>>
    %dma_start3A_341 = tpu.memref_squeeze %dma_start3A_340 : memref<1x!tpu.dma_semaphore, #tpu.memory_space<semaphore_mem>> -> memref<!tpu.dma_semaphore, #tpu.memory_space<semaphore_mem>>
    tpu.enqueue_indirect_dma source(%dma_start3A_339 : memref<28996x128xf32, #tpu.memory_space<hbm>>) target(%dma_start3A_333 : memref<128x128xf32, #tpu.memory_space<vmem>>) offsets(%dma_start3A_336 : memref<128xi32, #tpu.memory_space<vmem>>) semaphore(%dma_start3A_341 : memref<!tpu.dma_semaphore, #tpu.memory_space<semaphore_mem>>)
    %dma_wait3A_342 = arith.constant 5 : i32
    %dma_wait3A_343 = arith.constant 5 : i32
    %dma_wait3A_344 = arith.constant 0 : i32
    %dma_wait3A_345 = arith.constant 0 : i32
    %dma_wait3A_346 = tpu.memref_slice %arg6[%dma_wait3A_342, %dma_wait3A_344, %dma_wait3A_345] : memref<6x128x128xf32, #tpu.memory_space<vmem>> -> memref<1x128x128xf32, #tpu.memory_space<vmem>>
    %dma_wait3A_347 = tpu.memref_squeeze %dma_wait3A_346 : memref<1x128x128xf32, #tpu.memory_space<vmem>> -> memref<128x128xf32, #tpu.memory_space<vmem>>
    %dma_wait3A_348 = arith.constant 0 : i32
    %dma_wait3A_349 = arith.constant 0 : i32
    %dma_wait3A_350 = tpu.memref_slice %arg3[%dma_wait3A_348, %dma_wait3A_349] : memref<28996x128xf32, #tpu.memory_space<hbm>> -> memref<128x128xf32, #tpu.memory_space<hbm>>
    %dma_wait3A_351 = tpu.memref_slice %arg7[%dma_wait3A_343] : memref<6x!tpu.dma_semaphore, #tpu.memory_space<semaphore_mem>> -> memref<1x!tpu.dma_semaphore, #tpu.memory_space<semaphore_mem>>
    %dma_wait3A_352 = tpu.memref_squeeze %dma_wait3A_351 : memref<1x!tpu.dma_semaphore, #tpu.memory_space<semaphore_mem>> -> memref<!tpu.dma_semaphore, #tpu.memory_space<semaphore_mem>>
    %dma_wait3A_353 = arith.constant 0 : i32
    %dma_wait3A_354 = arith.constant 0 : i32
    %dma_wait3A_355 = tpu.memref_slice %arg6[%dma_wait3A_342, %dma_wait3A_353, %dma_wait3A_354] : memref<6x128x128xf32, #tpu.memory_space<vmem>> -> memref<1x128x128xf32, #tpu.memory_space<vmem>>
    %dma_wait3A_356 = tpu.memref_squeeze %dma_wait3A_355 : memref<1x128x128xf32, #tpu.memory_space<vmem>> -> memref<128x128xf32, #tpu.memory_space<vmem>>
    %dma_wait3A_357 = arith.constant 0 : i32
    %dma_wait3A_358 = arith.constant 0 : i32
    %dma_wait3A_359 = tpu.memref_slice %arg3[%dma_wait3A_357, %dma_wait3A_358] : memref<28996x128xf32, #tpu.memory_space<hbm>> -> memref<128x128xf32, #tpu.memory_space<hbm>>
    tpu.wait_dma2 semaphore(%dma_wait3A_352 : memref<!tpu.dma_semaphore, #tpu.memory_space<semaphore_mem>>) src(%dma_wait3A_359 : memref<128x128xf32, #tpu.memory_space<hbm>>) dst(%dma_wait3A_356 : memref<128x128xf32, #tpu.memory_space<vmem>>)
    %add3A_360 = arith.constant 12160 : i32
    %add3A_361 = arith.addi %mul3A_2, %add3A_360 : i32
    %dma_start3A_362 = arith.constant 5 : i32
    %dma_start3A_363 = arith.constant 5 : i32
    %dma_start3A_364 = arith.constant 0 : i32
    %dma_start3A_365 = arith.constant 0 : i32
    %dma_start3A_366 = tpu.memref_slice %arg6[%dma_start3A_362, %dma_start3A_364, %dma_start3A_365] : memref<6x128x128xf32, #tpu.memory_space<vmem>> -> memref<1x128x128xf32, #tpu.memory_space<vmem>>
    %dma_start3A_367 = tpu.memref_squeeze %dma_start3A_366 : memref<1x128x128xf32, #tpu.memory_space<vmem>> -> memref<128x128xf32, #tpu.memory_space<vmem>>
    %dma_start3A_368 = arith.constant 0 : i32
    %dma_start3A_369 = tpu.memref_slice %arg4[%add3A_361, %dma_start3A_368] : memref<409600x128xf32, #tpu.memory_space<hbm>> -> memref<128x128xf32, #tpu.memory_space<hbm>>
    %dma_start3A_370 = tpu.memref_slice %arg8[%dma_start3A_363] : memref<6x!tpu.dma_semaphore, #tpu.memory_space<semaphore_mem>> -> memref<1x!tpu.dma_semaphore, #tpu.memory_space<semaphore_mem>>
    %dma_start3A_371 = tpu.memref_squeeze %dma_start3A_370 : memref<1x!tpu.dma_semaphore, #tpu.memory_space<semaphore_mem>> -> memref<!tpu.dma_semaphore, #tpu.memory_space<semaphore_mem>>
    %dma_start3A_372 = arith.constant 0 : i32
    %dma_start3A_373 = tpu.memref_slice %arg4[%add3A_361, %dma_start3A_372] : memref<409600x128xf32, #tpu.memory_space<hbm>> -> memref<128x128xf32, #tpu.memory_space<hbm>>
    %dma_start3A_374 = arith.constant 0 : i32
    %dma_start3A_375 = arith.constant 0 : i32
    %dma_start3A_376 = tpu.memref_slice %arg6[%dma_start3A_362, %dma_start3A_374, %dma_start3A_375] : memref<6x128x128xf32, #tpu.memory_space<vmem>> -> memref<1x128x128xf32, #tpu.memory_space<vmem>>
    %dma_start3A_377 = tpu.memref_squeeze %dma_start3A_376 : memref<1x128x128xf32, #tpu.memory_space<vmem>> -> memref<128x128xf32, #tpu.memory_space<vmem>>
    tpu.enqueue_dma source(%dma_start3A_377 : memref<128x128xf32, #tpu.memory_space<vmem>>) target(%dma_start3A_373 : memref<128x128xf32, #tpu.memory_space<hbm>>) target_semaphore(%dma_start3A_371 : memref<!tpu.dma_semaphore, #tpu.memory_space<semaphore_mem>>)
    %dma_wait3A_378 = arith.constant 2 : i32
    %dma_wait3A_379 = arith.constant 2 : i32
    %dma_wait3A_380 = arith.constant 0 : i32
    %dma_wait3A_381 = arith.constant 0 : i32
    %dma_wait3A_382 = tpu.memref_slice %arg6[%dma_wait3A_378, %dma_wait3A_380, %dma_wait3A_381] : memref<6x128x128xf32, #tpu.memory_space<vmem>> -> memref<1x128x128xf32, #tpu.memory_space<vmem>>
    %dma_wait3A_383 = tpu.memref_squeeze %dma_wait3A_382 : memref<1x128x128xf32, #tpu.memory_space<vmem>> -> memref<128x128xf32, #tpu.memory_space<vmem>>
    %dma_wait3A_384 = arith.constant 0 : i32
    %dma_wait3A_385 = arith.constant 0 : i32
    %dma_wait3A_386 = tpu.memref_slice %arg4[%dma_wait3A_384, %dma_wait3A_385] : memref<409600x128xf32, #tpu.memory_space<hbm>> -> memref<128x128xf32, #tpu.memory_space<hbm>>
    %dma_wait3A_387 = tpu.memref_slice %arg8[%dma_wait3A_379] : memref<6x!tpu.dma_semaphore, #tpu.memory_space<semaphore_mem>> -> memref<1x!tpu.dma_semaphore, #tpu.memory_space<semaphore_mem>>
    %dma_wait3A_388 = tpu.memref_squeeze %dma_wait3A_387 : memref<1x!tpu.dma_semaphore, #tpu.memory_space<semaphore_mem>> -> memref<!tpu.dma_semaphore, #tpu.memory_space<semaphore_mem>>
    %dma_wait3A_389 = arith.constant 0 : i32
    %dma_wait3A_390 = arith.constant 0 : i32
    %dma_wait3A_391 = tpu.memref_slice %arg4[%dma_wait3A_389, %dma_wait3A_390] : memref<409600x128xf32, #tpu.memory_space<hbm>> -> memref<128x128xf32, #tpu.memory_space<hbm>>
    %dma_wait3A_392 = arith.constant 0 : i32
    %dma_wait3A_393 = arith.constant 0 : i32
    %dma_wait3A_394 = tpu.memref_slice %arg6[%dma_wait3A_378, %dma_wait3A_392, %dma_wait3A_393] : memref<6x128x128xf32, #tpu.memory_space<vmem>> -> memref<1x128x128xf32, #tpu.memory_space<vmem>>
    %dma_wait3A_395 = tpu.memref_squeeze %dma_wait3A_394 : memref<1x128x128xf32, #tpu.memory_space<vmem>> -> memref<128x128xf32, #tpu.memory_space<vmem>>
    tpu.wait_dma2 semaphore(%dma_wait3A_388 : memref<!tpu.dma_semaphore, #tpu.memory_space<semaphore_mem>>) src(%dma_wait3A_395 : memref<128x128xf32, #tpu.memory_space<vmem>>) dst(%dma_wait3A_391 : memref<128x128xf32, #tpu.memory_space<hbm>>)
    %dma_start3A_396 = arith.constant 98 : i32
    %dma_start3A_397 = arith.constant 2 : i32
    %dma_start3A_398 = arith.constant 2 : i32
    %dma_start3A_399 = arith.constant 0 : i32
    %dma_start3A_400 = arith.constant 0 : i32
    %dma_start3A_401 = tpu.memref_slice %arg6[%dma_start3A_397, %dma_start3A_399, %dma_start3A_400] : memref<6x128x128xf32, #tpu.memory_space<vmem>> -> memref<1x128x128xf32, #tpu.memory_space<vmem>>
    %dma_start3A_402 = tpu.memref_squeeze %dma_start3A_401 : memref<1x128x128xf32, #tpu.memory_space<vmem>> -> memref<128x128xf32, #tpu.memory_space<vmem>>
    %dma_start3A_403 = arith.constant 0 : i32
    %dma_start3A_404 = tpu.memref_slice %arg5[%dma_start3A_396, %dma_start3A_403] : memref<100x128xi32, #tpu.memory_space<vmem>> -> memref<1x128xi32, #tpu.memory_space<vmem>>
    %dma_start3A_405 = tpu.memref_squeeze %dma_start3A_404 : memref<1x128xi32, #tpu.memory_space<vmem>> -> memref<128xi32, #tpu.memory_space<vmem>>
    %dma_start3A_406 = arith.constant 0 : i32
    %dma_start3A_407 = arith.constant 0 : i32
    %dma_start3A_408 = tpu.memref_slice %arg3[%dma_start3A_406, %dma_start3A_407] : memref<28996x128xf32, #tpu.memory_space<hbm>> -> memref<28996x128xf32, #tpu.memory_space<hbm>>
    %dma_start3A_409 = tpu.memref_slice %arg7[%dma_start3A_398] : memref<6x!tpu.dma_semaphore, #tpu.memory_space<semaphore_mem>> -> memref<1x!tpu.dma_semaphore, #tpu.memory_space<semaphore_mem>>
    %dma_start3A_410 = tpu.memref_squeeze %dma_start3A_409 : memref<1x!tpu.dma_semaphore, #tpu.memory_space<semaphore_mem>> -> memref<!tpu.dma_semaphore, #tpu.memory_space<semaphore_mem>>
    tpu.enqueue_indirect_dma source(%dma_start3A_408 : memref<28996x128xf32, #tpu.memory_space<hbm>>) target(%dma_start3A_402 : memref<128x128xf32, #tpu.memory_space<vmem>>) offsets(%dma_start3A_405 : memref<128xi32, #tpu.memory_space<vmem>>) semaphore(%dma_start3A_410 : memref<!tpu.dma_semaphore, #tpu.memory_space<semaphore_mem>>)
    %dma_wait3A_411 = arith.constant 0 : i32
    %dma_wait3A_412 = arith.constant 0 : i32
    %dma_wait3A_413 = arith.constant 0 : i32
    %dma_wait3A_414 = arith.constant 0 : i32
    %dma_wait3A_415 = tpu.memref_slice %arg6[%dma_wait3A_411, %dma_wait3A_413, %dma_wait3A_414] : memref<6x128x128xf32, #tpu.memory_space<vmem>> -> memref<1x128x128xf32, #tpu.memory_space<vmem>>
    %dma_wait3A_416 = tpu.memref_squeeze %dma_wait3A_415 : memref<1x128x128xf32, #tpu.memory_space<vmem>> -> memref<128x128xf32, #tpu.memory_space<vmem>>
    %dma_wait3A_417 = arith.constant 0 : i32
    %dma_wait3A_418 = arith.constant 0 : i32
    %dma_wait3A_419 = tpu.memref_slice %arg3[%dma_wait3A_417, %dma_wait3A_418] : memref<28996x128xf32, #tpu.memory_space<hbm>> -> memref<128x128xf32, #tpu.memory_space<hbm>>
    %dma_wait3A_420 = tpu.memref_slice %arg7[%dma_wait3A_412] : memref<6x!tpu.dma_semaphore, #tpu.memory_space<semaphore_mem>> -> memref<1x!tpu.dma_semaphore, #tpu.memory_space<semaphore_mem>>
    %dma_wait3A_421 = tpu.memref_squeeze %dma_wait3A_420 : memref<1x!tpu.dma_semaphore, #tpu.memory_space<semaphore_mem>> -> memref<!tpu.dma_semaphore, #tpu.memory_space<semaphore_mem>>
    %dma_wait3A_422 = arith.constant 0 : i32
    %dma_wait3A_423 = arith.constant 0 : i32
    %dma_wait3A_424 = tpu.memref_slice %arg6[%dma_wait3A_411, %dma_wait3A_422, %dma_wait3A_423] : memref<6x128x128xf32, #tpu.memory_space<vmem>> -> memref<1x128x128xf32, #tpu.memory_space<vmem>>
    %dma_wait3A_425 = tpu.memref_squeeze %dma_wait3A_424 : memref<1x128x128xf32, #tpu.memory_space<vmem>> -> memref<128x128xf32, #tpu.memory_space<vmem>>
    %dma_wait3A_426 = arith.constant 0 : i32
    %dma_wait3A_427 = arith.constant 0 : i32
    %dma_wait3A_428 = tpu.memref_slice %arg3[%dma_wait3A_426, %dma_wait3A_427] : memref<28996x128xf32, #tpu.memory_space<hbm>> -> memref<128x128xf32, #tpu.memory_space<hbm>>
    tpu.wait_dma2 semaphore(%dma_wait3A_421 : memref<!tpu.dma_semaphore, #tpu.memory_space<semaphore_mem>>) src(%dma_wait3A_428 : memref<128x128xf32, #tpu.memory_space<hbm>>) dst(%dma_wait3A_425 : memref<128x128xf32, #tpu.memory_space<vmem>>)
    %add3A_429 = arith.constant 12288 : i32
    %add3A_430 = arith.addi %mul3A_2, %add3A_429 : i32
    %dma_start3A_431 = arith.constant 0 : i32
    %dma_start3A_432 = arith.constant 0 : i32
    %dma_start3A_433 = arith.constant 0 : i32
    %dma_start3A_434 = arith.constant 0 : i32
    %dma_start3A_435 = tpu.memref_slice %arg6[%dma_start3A_431, %dma_start3A_433, %dma_start3A_434] : memref<6x128x128xf32, #tpu.memory_space<vmem>> -> memref<1x128x128xf32, #tpu.memory_space<vmem>>
    %dma_start3A_436 = tpu.memref_squeeze %dma_start3A_435 : memref<1x128x128xf32, #tpu.memory_space<vmem>> -> memref<128x128xf32, #tpu.memory_space<vmem>>
    %dma_start3A_437 = arith.constant 0 : i32
    %dma_start3A_438 = tpu.memref_slice %arg4[%add3A_430, %dma_start3A_437] : memref<409600x128xf32, #tpu.memory_space<hbm>> -> memref<128x128xf32, #tpu.memory_space<hbm>>
    %dma_start3A_439 = tpu.memref_slice %arg8[%dma_start3A_432] : memref<6x!tpu.dma_semaphore, #tpu.memory_space<semaphore_mem>> -> memref<1x!tpu.dma_semaphore, #tpu.memory_space<semaphore_mem>>
    %dma_start3A_440 = tpu.memref_squeeze %dma_start3A_439 : memref<1x!tpu.dma_semaphore, #tpu.memory_space<semaphore_mem>> -> memref<!tpu.dma_semaphore, #tpu.memory_space<semaphore_mem>>
    %dma_start3A_441 = arith.constant 0 : i32
    %dma_start3A_442 = tpu.memref_slice %arg4[%add3A_430, %dma_start3A_441] : memref<409600x128xf32, #tpu.memory_space<hbm>> -> memref<128x128xf32, #tpu.memory_space<hbm>>
    %dma_start3A_443 = arith.constant 0 : i32
    %dma_start3A_444 = arith.constant 0 : i32
    %dma_start3A_445 = tpu.memref_slice %arg6[%dma_start3A_431, %dma_start3A_443, %dma_start3A_444] : memref<6x128x128xf32, #tpu.memory_space<vmem>> -> memref<1x128x128xf32, #tpu.memory_space<vmem>>
    %dma_start3A_446 = tpu.memref_squeeze %dma_start3A_445 : memref<1x128x128xf32, #tpu.memory_space<vmem>> -> memref<128x128xf32, #tpu.memory_space<vmem>>
    tpu.enqueue_dma source(%dma_start3A_446 : memref<128x128xf32, #tpu.memory_space<vmem>>) target(%dma_start3A_442 : memref<128x128xf32, #tpu.memory_space<hbm>>) target_semaphore(%dma_start3A_440 : memref<!tpu.dma_semaphore, #tpu.memory_space<semaphore_mem>>)
    %dma_wait3A_447 = arith.constant 3 : i32
    %dma_wait3A_448 = arith.constant 3 : i32
    %dma_wait3A_449 = arith.constant 0 : i32
    %dma_wait3A_450 = arith.constant 0 : i32
    %dma_wait3A_451 = tpu.memref_slice %arg6[%dma_wait3A_447, %dma_wait3A_449, %dma_wait3A_450] : memref<6x128x128xf32, #tpu.memory_space<vmem>> -> memref<1x128x128xf32, #tpu.memory_space<vmem>>
    %dma_wait3A_452 = tpu.memref_squeeze %dma_wait3A_451 : memref<1x128x128xf32, #tpu.memory_space<vmem>> -> memref<128x128xf32, #tpu.memory_space<vmem>>
    %dma_wait3A_453 = arith.constant 0 : i32
    %dma_wait3A_454 = arith.constant 0 : i32
    %dma_wait3A_455 = tpu.memref_slice %arg4[%dma_wait3A_453, %dma_wait3A_454] : memref<409600x128xf32, #tpu.memory_space<hbm>> -> memref<128x128xf32, #tpu.memory_space<hbm>>
    %dma_wait3A_456 = tpu.memref_slice %arg8[%dma_wait3A_448] : memref<6x!tpu.dma_semaphore, #tpu.memory_space<semaphore_mem>> -> memref<1x!tpu.dma_semaphore, #tpu.memory_space<semaphore_mem>>
    %dma_wait3A_457 = tpu.memref_squeeze %dma_wait3A_456 : memref<1x!tpu.dma_semaphore, #tpu.memory_space<semaphore_mem>> -> memref<!tpu.dma_semaphore, #tpu.memory_space<semaphore_mem>>
    %dma_wait3A_458 = arith.constant 0 : i32
    %dma_wait3A_459 = arith.constant 0 : i32
    %dma_wait3A_460 = tpu.memref_slice %arg4[%dma_wait3A_458, %dma_wait3A_459] : memref<409600x128xf32, #tpu.memory_space<hbm>> -> memref<128x128xf32, #tpu.memory_space<hbm>>
    %dma_wait3A_461 = arith.constant 0 : i32
    %dma_wait3A_462 = arith.constant 0 : i32
    %dma_wait3A_463 = tpu.memref_slice %arg6[%dma_wait3A_447, %dma_wait3A_461, %dma_wait3A_462] : memref<6x128x128xf32, #tpu.memory_space<vmem>> -> memref<1x128x128xf32, #tpu.memory_space<vmem>>
    %dma_wait3A_464 = tpu.memref_squeeze %dma_wait3A_463 : memref<1x128x128xf32, #tpu.memory_space<vmem>> -> memref<128x128xf32, #tpu.memory_space<vmem>>
    tpu.wait_dma2 semaphore(%dma_wait3A_457 : memref<!tpu.dma_semaphore, #tpu.memory_space<semaphore_mem>>) src(%dma_wait3A_464 : memref<128x128xf32, #tpu.memory_space<vmem>>) dst(%dma_wait3A_460 : memref<128x128xf32, #tpu.memory_space<hbm>>)
    %dma_start3A_465 = arith.constant 99 : i32
    %dma_start3A_466 = arith.constant 3 : i32
    %dma_start3A_467 = arith.constant 3 : i32
    %dma_start3A_468 = arith.constant 0 : i32
    %dma_start3A_469 = arith.constant 0 : i32
    %dma_start3A_470 = tpu.memref_slice %arg6[%dma_start3A_466, %dma_start3A_468, %dma_start3A_469] : memref<6x128x128xf32, #tpu.memory_space<vmem>> -> memref<1x128x128xf32, #tpu.memory_space<vmem>>
    %dma_start3A_471 = tpu.memref_squeeze %dma_start3A_470 : memref<1x128x128xf32, #tpu.memory_space<vmem>> -> memref<128x128xf32, #tpu.memory_space<vmem>>
    %dma_start3A_472 = arith.constant 0 : i32
    %dma_start3A_473 = tpu.memref_slice %arg5[%dma_start3A_465, %dma_start3A_472] : memref<100x128xi32, #tpu.memory_space<vmem>> -> memref<1x128xi32, #tpu.memory_space<vmem>>
    %dma_start3A_474 = tpu.memref_squeeze %dma_start3A_473 : memref<1x128xi32, #tpu.memory_space<vmem>> -> memref<128xi32, #tpu.memory_space<vmem>>
    %dma_start3A_475 = arith.constant 0 : i32
    %dma_start3A_476 = arith.constant 0 : i32
    %dma_start3A_477 = tpu.memref_slice %arg3[%dma_start3A_475, %dma_start3A_476] : memref<28996x128xf32, #tpu.memory_space<hbm>> -> memref<28996x128xf32, #tpu.memory_space<hbm>>
    %dma_start3A_478 = tpu.memref_slice %arg7[%dma_start3A_467] : memref<6x!tpu.dma_semaphore, #tpu.memory_space<semaphore_mem>> -> memref<1x!tpu.dma_semaphore, #tpu.memory_space<semaphore_mem>>
    %dma_start3A_479 = tpu.memref_squeeze %dma_start3A_478 : memref<1x!tpu.dma_semaphore, #tpu.memory_space<semaphore_mem>> -> memref<!tpu.dma_semaphore, #tpu.memory_space<semaphore_mem>>
    tpu.enqueue_indirect_dma source(%dma_start3A_477 : memref<28996x128xf32, #tpu.memory_space<hbm>>) target(%dma_start3A_471 : memref<128x128xf32, #tpu.memory_space<vmem>>) offsets(%dma_start3A_474 : memref<128xi32, #tpu.memory_space<vmem>>) semaphore(%dma_start3A_479 : memref<!tpu.dma_semaphore, #tpu.memory_space<semaphore_mem>>)
    %dma_wait3A_480 = arith.constant 1 : i32
    %dma_wait3A_481 = arith.constant 1 : i32
    %dma_wait3A_482 = arith.constant 0 : i32
    %dma_wait3A_483 = arith.constant 0 : i32
    %dma_wait3A_484 = tpu.memref_slice %arg6[%dma_wait3A_480, %dma_wait3A_482, %dma_wait3A_483] : memref<6x128x128xf32, #tpu.memory_space<vmem>> -> memref<1x128x128xf32, #tpu.memory_space<vmem>>
    %dma_wait3A_485 = tpu.memref_squeeze %dma_wait3A_484 : memref<1x128x128xf32, #tpu.memory_space<vmem>> -> memref<128x128xf32, #tpu.memory_space<vmem>>
    %dma_wait3A_486 = arith.constant 0 : i32
    %dma_wait3A_487 = arith.constant 0 : i32
    %dma_wait3A_488 = tpu.memref_slice %arg3[%dma_wait3A_486, %dma_wait3A_487] : memref<28996x128xf32, #tpu.memory_space<hbm>> -> memref<128x128xf32, #tpu.memory_space<hbm>>
    %dma_wait3A_489 = tpu.memref_slice %arg7[%dma_wait3A_481] : memref<6x!tpu.dma_semaphore, #tpu.memory_space<semaphore_mem>> -> memref<1x!tpu.dma_semaphore, #tpu.memory_space<semaphore_mem>>
    %dma_wait3A_490 = tpu.memref_squeeze %dma_wait3A_489 : memref<1x!tpu.dma_semaphore, #tpu.memory_space<semaphore_mem>> -> memref<!tpu.dma_semaphore, #tpu.memory_space<semaphore_mem>>
    %dma_wait3A_491 = arith.constant 0 : i32
    %dma_wait3A_492 = arith.constant 0 : i32
    %dma_wait3A_493 = tpu.memref_slice %arg6[%dma_wait3A_480, %dma_wait3A_491, %dma_wait3A_492] : memref<6x128x128xf32, #tpu.memory_space<vmem>> -> memref<1x128x128xf32, #tpu.memory_space<vmem>>
    %dma_wait3A_494 = tpu.memref_squeeze %dma_wait3A_493 : memref<1x128x128xf32, #tpu.memory_space<vmem>> -> memref<128x128xf32, #tpu.memory_space<vmem>>
    %dma_wait3A_495 = arith.constant 0 : i32
    %dma_wait3A_496 = arith.constant 0 : i32
    %dma_wait3A_497 = tpu.memref_slice %arg3[%dma_wait3A_495, %dma_wait3A_496] : memref<28996x128xf32, #tpu.memory_space<hbm>> -> memref<128x128xf32, #tpu.memory_space<hbm>>
    tpu.wait_dma2 semaphore(%dma_wait3A_490 : memref<!tpu.dma_semaphore, #tpu.memory_space<semaphore_mem>>) src(%dma_wait3A_497 : memref<128x128xf32, #tpu.memory_space<hbm>>) dst(%dma_wait3A_494 : memref<128x128xf32, #tpu.memory_space<vmem>>)
    %add3A_498 = arith.constant 12416 : i32
    %add3A_499 = arith.addi %mul3A_2, %add3A_498 : i32
    %dma_start3A_500 = arith.constant 1 : i32
    %dma_start3A_501 = arith.constant 1 : i32
    %dma_start3A_502 = arith.constant 0 : i32
    %dma_start3A_503 = arith.constant 0 : i32
    %dma_start3A_504 = tpu.memref_slice %arg6[%dma_start3A_500, %dma_start3A_502, %dma_start3A_503] : memref<6x128x128xf32, #tpu.memory_space<vmem>> -> memref<1x128x128xf32, #tpu.memory_space<vmem>>
    %dma_start3A_505 = tpu.memref_squeeze %dma_start3A_504 : memref<1x128x128xf32, #tpu.memory_space<vmem>> -> memref<128x128xf32, #tpu.memory_space<vmem>>
    %dma_start3A_506 = arith.constant 0 : i32
    %dma_start3A_507 = tpu.memref_slice %arg4[%add3A_499, %dma_start3A_506] : memref<409600x128xf32, #tpu.memory_space<hbm>> -> memref<128x128xf32, #tpu.memory_space<hbm>>
    %dma_start3A_508 = tpu.memref_slice %arg8[%dma_start3A_501] : memref<6x!tpu.dma_semaphore, #tpu.memory_space<semaphore_mem>> -> memref<1x!tpu.dma_semaphore, #tpu.memory_space<semaphore_mem>>
    %dma_start3A_509 = tpu.memref_squeeze %dma_start3A_508 : memref<1x!tpu.dma_semaphore, #tpu.memory_space<semaphore_mem>> -> memref<!tpu.dma_semaphore, #tpu.memory_space<semaphore_mem>>
    %dma_start3A_510 = arith.constant 0 : i32
    %dma_start3A_511 = tpu.memref_slice %arg4[%add3A_499, %dma_start3A_510] : memref<409600x128xf32, #tpu.memory_space<hbm>> -> memref<128x128xf32, #tpu.memory_space<hbm>>
    %dma_start3A_512 = arith.constant 0 : i32
    %dma_start3A_513 = arith.constant 0 : i32
    %dma_start3A_514 = tpu.memref_slice %arg6[%dma_start3A_500, %dma_start3A_512, %dma_start3A_513] : memref<6x128x128xf32, #tpu.memory_space<vmem>> -> memref<1x128x128xf32, #tpu.memory_space<vmem>>
    %dma_start3A_515 = tpu.memref_squeeze %dma_start3A_514 : memref<1x128x128xf32, #tpu.memory_space<vmem>> -> memref<128x128xf32, #tpu.memory_space<vmem>>
    tpu.enqueue_dma source(%dma_start3A_515 : memref<128x128xf32, #tpu.memory_space<vmem>>) target(%dma_start3A_511 : memref<128x128xf32, #tpu.memory_space<hbm>>) target_semaphore(%dma_start3A_509 : memref<!tpu.dma_semaphore, #tpu.memory_space<semaphore_mem>>)
    %dma_wait3A_516 = arith.constant 2 : i32
    %dma_wait3A_517 = arith.constant 2 : i32
    %dma_wait3A_518 = arith.constant 0 : i32
    %dma_wait3A_519 = arith.constant 0 : i32
    %dma_wait3A_520 = tpu.memref_slice %arg6[%dma_wait3A_516, %dma_wait3A_518, %dma_wait3A_519] : memref<6x128x128xf32, #tpu.memory_space<vmem>> -> memref<1x128x128xf32, #tpu.memory_space<vmem>>
    %dma_wait3A_521 = tpu.memref_squeeze %dma_wait3A_520 : memref<1x128x128xf32, #tpu.memory_space<vmem>> -> memref<128x128xf32, #tpu.memory_space<vmem>>
    %dma_wait3A_522 = arith.constant 0 : i32
    %dma_wait3A_523 = arith.constant 0 : i32
    %dma_wait3A_524 = tpu.memref_slice %arg3[%dma_wait3A_522, %dma_wait3A_523] : memref<28996x128xf32, #tpu.memory_space<hbm>> -> memref<128x128xf32, #tpu.memory_space<hbm>>
    %dma_wait3A_525 = tpu.memref_slice %arg7[%dma_wait3A_517] : memref<6x!tpu.dma_semaphore, #tpu.memory_space<semaphore_mem>> -> memref<1x!tpu.dma_semaphore, #tpu.memory_space<semaphore_mem>>
    %dma_wait3A_526 = tpu.memref_squeeze %dma_wait3A_525 : memref<1x!tpu.dma_semaphore, #tpu.memory_space<semaphore_mem>> -> memref<!tpu.dma_semaphore, #tpu.memory_space<semaphore_mem>>
    %dma_wait3A_527 = arith.constant 0 : i32
    %dma_wait3A_528 = arith.constant 0 : i32
    %dma_wait3A_529 = tpu.memref_slice %arg6[%dma_wait3A_516, %dma_wait3A_527, %dma_wait3A_528] : memref<6x128x128xf32, #tpu.memory_space<vmem>> -> memref<1x128x128xf32, #tpu.memory_space<vmem>>
    %dma_wait3A_530 = tpu.memref_squeeze %dma_wait3A_529 : memref<1x128x128xf32, #tpu.memory_space<vmem>> -> memref<128x128xf32, #tpu.memory_space<vmem>>
    %dma_wait3A_531 = arith.constant 0 : i32
    %dma_wait3A_532 = arith.constant 0 : i32
    %dma_wait3A_533 = tpu.memref_slice %arg3[%dma_wait3A_531, %dma_wait3A_532] : memref<28996x128xf32, #tpu.memory_space<hbm>> -> memref<128x128xf32, #tpu.memory_space<hbm>>
    tpu.wait_dma2 semaphore(%dma_wait3A_526 : memref<!tpu.dma_semaphore, #tpu.memory_space<semaphore_mem>>) src(%dma_wait3A_533 : memref<128x128xf32, #tpu.memory_space<hbm>>) dst(%dma_wait3A_530 : memref<128x128xf32, #tpu.memory_space<vmem>>)
    %add3A_534 = arith.constant 12544 : i32
    %add3A_535 = arith.addi %mul3A_2, %add3A_534 : i32
    %dma_start3A_536 = arith.constant 2 : i32
    %dma_start3A_537 = arith.constant 2 : i32
    %dma_start3A_538 = arith.constant 0 : i32
    %dma_start3A_539 = arith.constant 0 : i32
    %dma_start3A_540 = tpu.memref_slice %arg6[%dma_start3A_536, %dma_start3A_538, %dma_start3A_539] : memref<6x128x128xf32, #tpu.memory_space<vmem>> -> memref<1x128x128xf32, #tpu.memory_space<vmem>>
    %dma_start3A_541 = tpu.memref_squeeze %dma_start3A_540 : memref<1x128x128xf32, #tpu.memory_space<vmem>> -> memref<128x128xf32, #tpu.memory_space<vmem>>
    %dma_start3A_542 = arith.constant 0 : i32
    %dma_start3A_543 = tpu.memref_slice %arg4[%add3A_535, %dma_start3A_542] : memref<409600x128xf32, #tpu.memory_space<hbm>> -> memref<128x128xf32, #tpu.memory_space<hbm>>
    %dma_start3A_544 = tpu.memref_slice %arg8[%dma_start3A_537] : memref<6x!tpu.dma_semaphore, #tpu.memory_space<semaphore_mem>> -> memref<1x!tpu.dma_semaphore, #tpu.memory_space<semaphore_mem>>
    %dma_start3A_545 = tpu.memref_squeeze %dma_start3A_544 : memref<1x!tpu.dma_semaphore, #tpu.memory_space<semaphore_mem>> -> memref<!tpu.dma_semaphore, #tpu.memory_space<semaphore_mem>>
    %dma_start3A_546 = arith.constant 0 : i32
    %dma_start3A_547 = tpu.memref_slice %arg4[%add3A_535, %dma_start3A_546] : memref<409600x128xf32, #tpu.memory_space<hbm>> -> memref<128x128xf32, #tpu.memory_space<hbm>>
    %dma_start3A_548 = arith.constant 0 : i32
    %dma_start3A_549 = arith.constant 0 : i32
    %dma_start3A_550 = tpu.memref_slice %arg6[%dma_start3A_536, %dma_start3A_548, %dma_start3A_549] : memref<6x128x128xf32, #tpu.memory_space<vmem>> -> memref<1x128x128xf32, #tpu.memory_space<vmem>>
    %dma_start3A_551 = tpu.memref_squeeze %dma_start3A_550 : memref<1x128x128xf32, #tpu.memory_space<vmem>> -> memref<128x128xf32, #tpu.memory_space<vmem>>
    tpu.enqueue_dma source(%dma_start3A_551 : memref<128x128xf32, #tpu.memory_space<vmem>>) target(%dma_start3A_547 : memref<128x128xf32, #tpu.memory_space<hbm>>) target_semaphore(%dma_start3A_545 : memref<!tpu.dma_semaphore, #tpu.memory_space<semaphore_mem>>)
    %dma_wait3A_552 = arith.constant 3 : i32
    %dma_wait3A_553 = arith.constant 3 : i32
    %dma_wait3A_554 = arith.constant 0 : i32
    %dma_wait3A_555 = arith.constant 0 : i32
    %dma_wait3A_556 = tpu.memref_slice %arg6[%dma_wait3A_552, %dma_wait3A_554, %dma_wait3A_555] : memref<6x128x128xf32, #tpu.memory_space<vmem>> -> memref<1x128x128xf32, #tpu.memory_space<vmem>>
    %dma_wait3A_557 = tpu.memref_squeeze %dma_wait3A_556 : memref<1x128x128xf32, #tpu.memory_space<vmem>> -> memref<128x128xf32, #tpu.memory_space<vmem>>
    %dma_wait3A_558 = arith.constant 0 : i32
    %dma_wait3A_559 = arith.constant 0 : i32
    %dma_wait3A_560 = tpu.memref_slice %arg3[%dma_wait3A_558, %dma_wait3A_559] : memref<28996x128xf32, #tpu.memory_space<hbm>> -> memref<128x128xf32, #tpu.memory_space<hbm>>
    %dma_wait3A_561 = tpu.memref_slice %arg7[%dma_wait3A_553] : memref<6x!tpu.dma_semaphore, #tpu.memory_space<semaphore_mem>> -> memref<1x!tpu.dma_semaphore, #tpu.memory_space<semaphore_mem>>
    %dma_wait3A_562 = tpu.memref_squeeze %dma_wait3A_561 : memref<1x!tpu.dma_semaphore, #tpu.memory_space<semaphore_mem>> -> memref<!tpu.dma_semaphore, #tpu.memory_space<semaphore_mem>>
    %dma_wait3A_563 = arith.constant 0 : i32
    %dma_wait3A_564 = arith.constant 0 : i32
    %dma_wait3A_565 = tpu.memref_slice %arg6[%dma_wait3A_552, %dma_wait3A_563, %dma_wait3A_564] : memref<6x128x128xf32, #tpu.memory_space<vmem>> -> memref<1x128x128xf32, #tpu.memory_space<vmem>>
    %dma_wait3A_566 = tpu.memref_squeeze %dma_wait3A_565 : memref<1x128x128xf32, #tpu.memory_space<vmem>> -> memref<128x128xf32, #tpu.memory_space<vmem>>
    %dma_wait3A_567 = arith.constant 0 : i32
    %dma_wait3A_568 = arith.constant 0 : i32
    %dma_wait3A_569 = tpu.memref_slice %arg3[%dma_wait3A_567, %dma_wait3A_568] : memref<28996x128xf32, #tpu.memory_space<hbm>> -> memref<128x128xf32, #tpu.memory_space<hbm>>
    tpu.wait_dma2 semaphore(%dma_wait3A_562 : memref<!tpu.dma_semaphore, #tpu.memory_space<semaphore_mem>>) src(%dma_wait3A_569 : memref<128x128xf32, #tpu.memory_space<hbm>>) dst(%dma_wait3A_566 : memref<128x128xf32, #tpu.memory_space<vmem>>)
    %add3A_570 = arith.constant 12672 : i32
    %add3A_571 = arith.addi %mul3A_2, %add3A_570 : i32
    %dma_start3A_572 = arith.constant 3 : i32
    %dma_start3A_573 = arith.constant 3 : i32
    %dma_start3A_574 = arith.constant 0 : i32
    %dma_start3A_575 = arith.constant 0 : i32
    %dma_start3A_576 = tpu.memref_slice %arg6[%dma_start3A_572, %dma_start3A_574, %dma_start3A_575] : memref<6x128x128xf32, #tpu.memory_space<vmem>> -> memref<1x128x128xf32, #tpu.memory_space<vmem>>
    %dma_start3A_577 = tpu.memref_squeeze %dma_start3A_576 : memref<1x128x128xf32, #tpu.memory_space<vmem>> -> memref<128x128xf32, #tpu.memory_space<vmem>>
    %dma_start3A_578 = arith.constant 0 : i32
    %dma_start3A_579 = tpu.memref_slice %arg4[%add3A_571, %dma_start3A_578] : memref<409600x128xf32, #tpu.memory_space<hbm>> -> memref<128x128xf32, #tpu.memory_space<hbm>>
    %dma_start3A_580 = tpu.memref_slice %arg8[%dma_start3A_573] : memref<6x!tpu.dma_semaphore, #tpu.memory_space<semaphore_mem>> -> memref<1x!tpu.dma_semaphore, #tpu.memory_space<semaphore_mem>>
    %dma_start3A_581 = tpu.memref_squeeze %dma_start3A_580 : memref<1x!tpu.dma_semaphore, #tpu.memory_space<semaphore_mem>> -> memref<!tpu.dma_semaphore, #tpu.memory_space<semaphore_mem>>
    %dma_start3A_582 = arith.constant 0 : i32
    %dma_start3A_583 = tpu.memref_slice %arg4[%add3A_571, %dma_start3A_582] : memref<409600x128xf32, #tpu.memory_space<hbm>> -> memref<128x128xf32, #tpu.memory_space<hbm>>
    %dma_start3A_584 = arith.constant 0 : i32
    %dma_start3A_585 = arith.constant 0 : i32
    %dma_start3A_586 = tpu.memref_slice %arg6[%dma_start3A_572, %dma_start3A_584, %dma_start3A_585] : memref<6x128x128xf32, #tpu.memory_space<vmem>> -> memref<1x128x128xf32, #tpu.memory_space<vmem>>
    %dma_start3A_587 = tpu.memref_squeeze %dma_start3A_586 : memref<1x128x128xf32, #tpu.memory_space<vmem>> -> memref<128x128xf32, #tpu.memory_space<vmem>>
    tpu.enqueue_dma source(%dma_start3A_587 : memref<128x128xf32, #tpu.memory_space<vmem>>) target(%dma_start3A_583 : memref<128x128xf32, #tpu.memory_space<hbm>>) target_semaphore(%dma_start3A_581 : memref<!tpu.dma_semaphore, #tpu.memory_space<semaphore_mem>>)
    %dma_wait3A_588 = arith.constant 4 : i32
    %dma_wait3A_589 = arith.constant 4 : i32
    %dma_wait3A_590 = arith.constant 0 : i32
    %dma_wait3A_591 = arith.constant 0 : i32
    %dma_wait3A_592 = tpu.memref_slice %arg6[%dma_wait3A_588, %dma_wait3A_590, %dma_wait3A_591] : memref<6x128x128xf32, #tpu.memory_space<vmem>> -> memref<1x128x128xf32, #tpu.memory_space<vmem>>
    %dma_wait3A_593 = tpu.memref_squeeze %dma_wait3A_592 : memref<1x128x128xf32, #tpu.memory_space<vmem>> -> memref<128x128xf32, #tpu.memory_space<vmem>>
    %dma_wait3A_594 = arith.constant 0 : i32
    %dma_wait3A_595 = arith.constant 0 : i32
    %dma_wait3A_596 = tpu.memref_slice %arg4[%dma_wait3A_594, %dma_wait3A_595] : memref<409600x128xf32, #tpu.memory_space<hbm>> -> memref<128x128xf32, #tpu.memory_space<hbm>>
    %dma_wait3A_597 = tpu.memref_slice %arg8[%dma_wait3A_589] : memref<6x!tpu.dma_semaphore, #tpu.memory_space<semaphore_mem>> -> memref<1x!tpu.dma_semaphore, #tpu.memory_space<semaphore_mem>>
    %dma_wait3A_598 = tpu.memref_squeeze %dma_wait3A_597 : memref<1x!tpu.dma_semaphore, #tpu.memory_space<semaphore_mem>> -> memref<!tpu.dma_semaphore, #tpu.memory_space<semaphore_mem>>
    %dma_wait3A_599 = arith.constant 0 : i32
    %dma_wait3A_600 = arith.constant 0 : i32
    %dma_wait3A_601 = tpu.memref_slice %arg4[%dma_wait3A_599, %dma_wait3A_600] : memref<409600x128xf32, #tpu.memory_space<hbm>> -> memref<128x128xf32, #tpu.memory_space<hbm>>
    %dma_wait3A_602 = arith.constant 0 : i32
    %dma_wait3A_603 = arith.constant 0 : i32
    %dma_wait3A_604 = tpu.memref_slice %arg6[%dma_wait3A_588, %dma_wait3A_602, %dma_wait3A_603] : memref<6x128x128xf32, #tpu.memory_space<vmem>> -> memref<1x128x128xf32, #tpu.memory_space<vmem>>
    %dma_wait3A_605 = tpu.memref_squeeze %dma_wait3A_604 : memref<1x128x128xf32, #tpu.memory_space<vmem>> -> memref<128x128xf32, #tpu.memory_space<vmem>>
    tpu.wait_dma2 semaphore(%dma_wait3A_598 : memref<!tpu.dma_semaphore, #tpu.memory_space<semaphore_mem>>) src(%dma_wait3A_605 : memref<128x128xf32, #tpu.memory_space<vmem>>) dst(%dma_wait3A_601 : memref<128x128xf32, #tpu.memory_space<hbm>>)
    %dma_wait3A_606 = arith.constant 5 : i32
    %dma_wait3A_607 = arith.constant 5 : i32
    %dma_wait3A_608 = arith.constant 0 : i32
    %dma_wait3A_609 = arith.constant 0 : i32
    %dma_wait3A_610 = tpu.memref_slice %arg6[%dma_wait3A_606, %dma_wait3A_608, %dma_wait3A_609] : memref<6x128x128xf32, #tpu.memory_space<vmem>> -> memref<1x128x128xf32, #tpu.memory_space<vmem>>
    %dma_wait3A_611 = tpu.memref_squeeze %dma_wait3A_610 : memref<1x128x128xf32, #tpu.memory_space<vmem>> -> memref<128x128xf32, #tpu.memory_space<vmem>>
    %dma_wait3A_612 = arith.constant 0 : i32
    %dma_wait3A_613 = arith.constant 0 : i32
    %dma_wait3A_614 = tpu.memref_slice %arg4[%dma_wait3A_612, %dma_wait3A_613] : memref<409600x128xf32, #tpu.memory_space<hbm>> -> memref<128x128xf32, #tpu.memory_space<hbm>>
    %dma_wait3A_615 = tpu.memref_slice %arg8[%dma_wait3A_607] : memref<6x!tpu.dma_semaphore, #tpu.memory_space<semaphore_mem>> -> memref<1x!tpu.dma_semaphore, #tpu.memory_space<semaphore_mem>>
    %dma_wait3A_616 = tpu.memref_squeeze %dma_wait3A_615 : memref<1x!tpu.dma_semaphore, #tpu.memory_space<semaphore_mem>> -> memref<!tpu.dma_semaphore, #tpu.memory_space<semaphore_mem>>
    %dma_wait3A_617 = arith.constant 0 : i32
    %dma_wait3A_618 = arith.constant 0 : i32
    %dma_wait3A_619 = tpu.memref_slice %arg4[%dma_wait3A_617, %dma_wait3A_618] : memref<409600x128xf32, #tpu.memory_space<hbm>> -> memref<128x128xf32, #tpu.memory_space<hbm>>
    %dma_wait3A_620 = arith.constant 0 : i32
    %dma_wait3A_621 = arith.constant 0 : i32
    %dma_wait3A_622 = tpu.memref_slice %arg6[%dma_wait3A_606, %dma_wait3A_620, %dma_wait3A_621] : memref<6x128x128xf32, #tpu.memory_space<vmem>> -> memref<1x128x128xf32, #tpu.memory_space<vmem>>
    %dma_wait3A_623 = tpu.memref_squeeze %dma_wait3A_622 : memref<1x128x128xf32, #tpu.memory_space<vmem>> -> memref<128x128xf32, #tpu.memory_space<vmem>>
    tpu.wait_dma2 semaphore(%dma_wait3A_616 : memref<!tpu.dma_semaphore, #tpu.memory_space<semaphore_mem>>) src(%dma_wait3A_623 : memref<128x128xf32, #tpu.memory_space<vmem>>) dst(%dma_wait3A_619 : memref<128x128xf32, #tpu.memory_space<hbm>>)
    %dma_wait3A_624 = arith.constant 0 : i32
    %dma_wait3A_625 = arith.constant 0 : i32
    %dma_wait3A_626 = arith.constant 0 : i32
    %dma_wait3A_627 = arith.constant 0 : i32
    %dma_wait3A_628 = tpu.memref_slice %arg6[%dma_wait3A_624, %dma_wait3A_626, %dma_wait3A_627] : memref<6x128x128xf32, #tpu.memory_space<vmem>> -> memref<1x128x128xf32, #tpu.memory_space<vmem>>
    %dma_wait3A_629 = tpu.memref_squeeze %dma_wait3A_628 : memref<1x128x128xf32, #tpu.memory_space<vmem>> -> memref<128x128xf32, #tpu.memory_space<vmem>>
    %dma_wait3A_630 = arith.constant 0 : i32
    %dma_wait3A_631 = arith.constant 0 : i32
    %dma_wait3A_632 = tpu.memref_slice %arg4[%dma_wait3A_630, %dma_wait3A_631] : memref<409600x128xf32, #tpu.memory_space<hbm>> -> memref<128x128xf32, #tpu.memory_space<hbm>>
    %dma_wait3A_633 = tpu.memref_slice %arg8[%dma_wait3A_625] : memref<6x!tpu.dma_semaphore, #tpu.memory_space<semaphore_mem>> -> memref<1x!tpu.dma_semaphore, #tpu.memory_space<semaphore_mem>>
    %dma_wait3A_634 = tpu.memref_squeeze %dma_wait3A_633 : memref<1x!tpu.dma_semaphore, #tpu.memory_space<semaphore_mem>> -> memref<!tpu.dma_semaphore, #tpu.memory_space<semaphore_mem>>
    %dma_wait3A_635 = arith.constant 0 : i32
    %dma_wait3A_636 = arith.constant 0 : i32
    %dma_wait3A_637 = tpu.memref_slice %arg4[%dma_wait3A_635, %dma_wait3A_636] : memref<409600x128xf32, #tpu.memory_space<hbm>> -> memref<128x128xf32, #tpu.memory_space<hbm>>
    %dma_wait3A_638 = arith.constant 0 : i32
    %dma_wait3A_639 = arith.constant 0 : i32
    %dma_wait3A_640 = tpu.memref_slice %arg6[%dma_wait3A_624, %dma_wait3A_638, %dma_wait3A_639] : memref<6x128x128xf32, #tpu.memory_space<vmem>> -> memref<1x128x128xf32, #tpu.memory_space<vmem>>
    %dma_wait3A_641 = tpu.memref_squeeze %dma_wait3A_640 : memref<1x128x128xf32, #tpu.memory_space<vmem>> -> memref<128x128xf32, #tpu.memory_space<vmem>>
    tpu.wait_dma2 semaphore(%dma_wait3A_634 : memref<!tpu.dma_semaphore, #tpu.memory_space<semaphore_mem>>) src(%dma_wait3A_641 : memref<128x128xf32, #tpu.memory_space<vmem>>) dst(%dma_wait3A_637 : memref<128x128xf32, #tpu.memory_space<hbm>>)
    %dma_wait3A_642 = arith.constant 1 : i32
    %dma_wait3A_643 = arith.constant 1 : i32
    %dma_wait3A_644 = arith.constant 0 : i32
    %dma_wait3A_645 = arith.constant 0 : i32
    %dma_wait3A_646 = tpu.memref_slice %arg6[%dma_wait3A_642, %dma_wait3A_644, %dma_wait3A_645] : memref<6x128x128xf32, #tpu.memory_space<vmem>> -> memref<1x128x128xf32, #tpu.memory_space<vmem>>
    %dma_wait3A_647 = tpu.memref_squeeze %dma_wait3A_646 : memref<1x128x128xf32, #tpu.memory_space<vmem>> -> memref<128x128xf32, #tpu.memory_space<vmem>>
    %dma_wait3A_648 = arith.constant 0 : i32
    %dma_wait3A_649 = arith.constant 0 : i32
    %dma_wait3A_650 = tpu.memref_slice %arg4[%dma_wait3A_648, %dma_wait3A_649] : memref<409600x128xf32, #tpu.memory_space<hbm>> -> memref<128x128xf32, #tpu.memory_space<hbm>>
    %dma_wait3A_651 = tpu.memref_slice %arg8[%dma_wait3A_643] : memref<6x!tpu.dma_semaphore, #tpu.memory_space<semaphore_mem>> -> memref<1x!tpu.dma_semaphore, #tpu.memory_space<semaphore_mem>>
    %dma_wait3A_652 = tpu.memref_squeeze %dma_wait3A_651 : memref<1x!tpu.dma_semaphore, #tpu.memory_space<semaphore_mem>> -> memref<!tpu.dma_semaphore, #tpu.memory_space<semaphore_mem>>
    %dma_wait3A_653 = arith.constant 0 : i32
    %dma_wait3A_654 = arith.constant 0 : i32
    %dma_wait3A_655 = tpu.memref_slice %arg4[%dma_wait3A_653, %dma_wait3A_654] : memref<409600x128xf32, #tpu.memory_space<hbm>> -> memref<128x128xf32, #tpu.memory_space<hbm>>
    %dma_wait3A_656 = arith.constant 0 : i32
    %dma_wait3A_657 = arith.constant 0 : i32
    %dma_wait3A_658 = tpu.memref_slice %arg6[%dma_wait3A_642, %dma_wait3A_656, %dma_wait3A_657] : memref<6x128x128xf32, #tpu.memory_space<vmem>> -> memref<1x128x128xf32, #tpu.memory_space<vmem>>
    %dma_wait3A_659 = tpu.memref_squeeze %dma_wait3A_658 : memref<1x128x128xf32, #tpu.memory_space<vmem>> -> memref<128x128xf32, #tpu.memory_space<vmem>>
    tpu.wait_dma2 semaphore(%dma_wait3A_652 : memref<!tpu.dma_semaphore, #tpu.memory_space<semaphore_mem>>) src(%dma_wait3A_659 : memref<128x128xf32, #tpu.memory_space<vmem>>) dst(%dma_wait3A_655 : memref<128x128xf32, #tpu.memory_space<hbm>>)
    %dma_wait3A_660 = arith.constant 2 : i32
    %dma_wait3A_661 = arith.constant 2 : i32
    %dma_wait3A_662 = arith.constant 0 : i32
    %dma_wait3A_663 = arith.constant 0 : i32
    %dma_wait3A_664 = tpu.memref_slice %arg6[%dma_wait3A_660, %dma_wait3A_662, %dma_wait3A_663] : memref<6x128x128xf32, #tpu.memory_space<vmem>> -> memref<1x128x128xf32, #tpu.memory_space<vmem>>
    %dma_wait3A_665 = tpu.memref_squeeze %dma_wait3A_664 : memref<1x128x128xf32, #tpu.memory_space<vmem>> -> memref<128x128xf32, #tpu.memory_space<vmem>>
    %dma_wait3A_666 = arith.constant 0 : i32
    %dma_wait3A_667 = arith.constant 0 : i32
    %dma_wait3A_668 = tpu.memref_slice %arg4[%dma_wait3A_666, %dma_wait3A_667] : memref<409600x128xf32, #tpu.memory_space<hbm>> -> memref<128x128xf32, #tpu.memory_space<hbm>>
    %dma_wait3A_669 = tpu.memref_slice %arg8[%dma_wait3A_661] : memref<6x!tpu.dma_semaphore, #tpu.memory_space<semaphore_mem>> -> memref<1x!tpu.dma_semaphore, #tpu.memory_space<semaphore_mem>>
    %dma_wait3A_670 = tpu.memref_squeeze %dma_wait3A_669 : memref<1x!tpu.dma_semaphore, #tpu.memory_space<semaphore_mem>> -> memref<!tpu.dma_semaphore, #tpu.memory_space<semaphore_mem>>
    %dma_wait3A_671 = arith.constant 0 : i32
    %dma_wait3A_672 = arith.constant 0 : i32
    %dma_wait3A_673 = tpu.memref_slice %arg4[%dma_wait3A_671, %dma_wait3A_672] : memref<409600x128xf32, #tpu.memory_space<hbm>> -> memref<128x128xf32, #tpu.memory_space<hbm>>
    %dma_wait3A_674 = arith.constant 0 : i32
    %dma_wait3A_675 = arith.constant 0 : i32
    %dma_wait3A_676 = tpu.memref_slice %arg6[%dma_wait3A_660, %dma_wait3A_674, %dma_wait3A_675] : memref<6x128x128xf32, #tpu.memory_space<vmem>> -> memref<1x128x128xf32, #tpu.memory_space<vmem>>
    %dma_wait3A_677 = tpu.memref_squeeze %dma_wait3A_676 : memref<1x128x128xf32, #tpu.memory_space<vmem>> -> memref<128x128xf32, #tpu.memory_space<vmem>>
    tpu.wait_dma2 semaphore(%dma_wait3A_670 : memref<!tpu.dma_semaphore, #tpu.memory_space<semaphore_mem>>) src(%dma_wait3A_677 : memref<128x128xf32, #tpu.memory_space<vmem>>) dst(%dma_wait3A_673 : memref<128x128xf32, #tpu.memory_space<hbm>>)
    %dma_wait3A_678 = arith.constant 3 : i32
    %dma_wait3A_679 = arith.constant 3 : i32
    %dma_wait3A_680 = arith.constant 0 : i32
    %dma_wait3A_681 = arith.constant 0 : i32
    %dma_wait3A_682 = tpu.memref_slice %arg6[%dma_wait3A_678, %dma_wait3A_680, %dma_wait3A_681] : memref<6x128x128xf32, #tpu.memory_space<vmem>> -> memref<1x128x128xf32, #tpu.memory_space<vmem>>
    %dma_wait3A_683 = tpu.memref_squeeze %dma_wait3A_682 : memref<1x128x128xf32, #tpu.memory_space<vmem>> -> memref<128x128xf32, #tpu.memory_space<vmem>>
    %dma_wait3A_684 = arith.constant 0 : i32
    %dma_wait3A_685 = arith.constant 0 : i32
    %dma_wait3A_686 = tpu.memref_slice %arg4[%dma_wait3A_684, %dma_wait3A_685] : memref<409600x128xf32, #tpu.memory_space<hbm>> -> memref<128x128xf32, #tpu.memory_space<hbm>>
    %dma_wait3A_687 = tpu.memref_slice %arg8[%dma_wait3A_679] : memref<6x!tpu.dma_semaphore, #tpu.memory_space<semaphore_mem>> -> memref<1x!tpu.dma_semaphore, #tpu.memory_space<semaphore_mem>>
    %dma_wait3A_688 = tpu.memref_squeeze %dma_wait3A_687 : memref<1x!tpu.dma_semaphore, #tpu.memory_space<semaphore_mem>> -> memref<!tpu.dma_semaphore, #tpu.memory_space<semaphore_mem>>
    %dma_wait3A_689 = arith.constant 0 : i32
    %dma_wait3A_690 = arith.constant 0 : i32
    %dma_wait3A_691 = tpu.memref_slice %arg4[%dma_wait3A_689, %dma_wait3A_690] : memref<409600x128xf32, #tpu.memory_space<hbm>> -> memref<128x128xf32, #tpu.memory_space<hbm>>
    %dma_wait3A_692 = arith.constant 0 : i32
    %dma_wait3A_693 = arith.constant 0 : i32
    %dma_wait3A_694 = tpu.memref_slice %arg6[%dma_wait3A_678, %dma_wait3A_692, %dma_wait3A_693] : memref<6x128x128xf32, #tpu.memory_space<vmem>> -> memref<1x128x128xf32, #tpu.memory_space<vmem>>
    %dma_wait3A_695 = tpu.memref_squeeze %dma_wait3A_694 : memref<1x128x128xf32, #tpu.memory_space<vmem>> -> memref<128x128xf32, #tpu.memory_space<vmem>>
    tpu.wait_dma2 semaphore(%dma_wait3A_688 : memref<!tpu.dma_semaphore, #tpu.memory_space<semaphore_mem>>) src(%dma_wait3A_695 : memref<128x128xf32, #tpu.memory_space<vmem>>) dst(%dma_wait3A_691 : memref<128x128xf32, #tpu.memory_space<hbm>>)
    return
  }
}

</mosaic_0001>

<sc_bundles>
// kernel: kernel.3.cloned.1.call-start
scs
__scs_entry_jumppad:
0x0: {  	(pc) =	sbr.rel $0x88, $3  }
0x1: {  	(tag) =	ssettag $0x0;
	lr =	simm.s32 $0x1  }
0x2: {  	[smem:$0x3F9F] =	sst lr;
	_ =	strace $0xD0000000  }
0x3: {  	_ = 	snop  }
0x4: {  	_ = 	snop  }
0x5: {  	_ = 	snop  }
0x6: {  	_ = 	snop  }
0x7: {  	_ = 	snop  }
__scs_overlays_trampoline_lowered:
0x8: {  	[smem:$0x3FAE] =	sst s0  }
0x9: {  	[smem:$0x3FAF] =	sst s1  }
0xa: {  	[smem:$0x3FB0] =	sst s2  }
0xb: {  	[smem:$0x3FB1] =	sst s3  }
0xc: {  	[smem:$0x3FB2] =	sst s4  }
0xd: {  	[smem:$0x3FB3] =	sst s5  }
0xe: {  	[smem:$0x3FB4] =	sst s6  }
0xf: {  	[smem:$0x3FB5] =	sst s7  }
0x10: {  	[smem:$0x3FB6] =	sst s8  }
0x11: {  	[smem:$0x3FB7] =	sst s9;
	s0 =	simm.s32 @!p0 $0x0  }
0x12: {  	s1 =	sld [smem:$0x3F9D];
	s0 =	simm.s32 @p0 $0x1  }
0x13: {  	[smem:$0x3FB8] =	sst s0;
	s0 =	simm.s32 @!p1 $0x0  }
0x14: {  	s2 =	sld [smem:$0x3F9C];
	s0 =	simm.s32 @p1 $0x1  }
0x15: {  	[smem:$0x3FB9] =	sst s0;
	s0 =	simm.s32 @!p2 $0x0  }
0x16: {  	s3 =	sld [smem:$0x3FDB];
	s0 =	simm.s32 @p2 $0x1  }
0x17: {  	s4 =	simm.s32 $0x1BF5;
	[smem:$0x3FBB] =	sst s0  }
0x18: {  	s0 =	sld [smem:$0x3F9E];
	_ =	swait.ge [sflag:s4], $0x0  }
0x19: {  	s7 =	sld [smem:$0x3F9F]  }
0x1a: {  	s8 =	sadd.s32 $0xFFFFE003, lr  }
0x1b: {  	s9 =	sadd.s32 $0xFFFFFEF7, lr;
	s5 =	simm.s32 $0xFFFFFFFF;
	p2 =	slt.u32 s8, $0xFFFFF086  }
0x1c: {  	p1 =	slt.u32 s9, $0xF7A;
	s5 =	simm.s32 @!p2 $0x0  }
0x1d: {  	s5 =	simm.s32 @p1 $0x1;
	p0 =	seq.s32 s7, s2  }
0x1e: {  	s7 =	smul.u32 @!p0 $0xF7A, s2;
	p2 =	seq.s32 @!p0 s5, $0x0  }
0x1f: {  	s9 =	smul.u32 $0xF7A, s1;
	s8 =	simm.s32 @!p0 $0x1BF5;
	p2 =	por !p2, p0  }
0x20: {  	[sflag:s8] =	ssyncset.s32 @!p0 $0xFFFFF086;
	s6 =	sadd.s32 @!p0 s3, s7;
	s7 =	simm.s32 @!p0 $0x108  }
0x21: {  	s3 =	sadd.s32 s3, s9;
	s6 =	sadd.s32 @!p0 $0x88, s6;
	s7 =	simm.s32 @p2 $0x1082  }
0x22: {  	[simem:s7], [sflag:s8] =	dma.local @!p0 [hbm:s6], $0xF7A  }
0x23: {  	s9 =	sor.u32 $0xD0000000, s2;
	s6 =	simm.s32 $0x108;
	_ =	swait.ge @!p0 [sflag:s8], $0x0  }
0x24: {  	s3 =	sadd.s32 $0x88, s3;
	s6 =	simm.s32 @!p1 $0x1082;
	[sflag:s4] =	ssyncset.s32 $0xFFFFF086  }
0x25: {  	[simem:s6], [sflag:s4] =	dma.local [hbm:s3], $0xF7A  }
0x26: {  	[smem:$0x3F9F] =	sst s1;
	(tag) =	ssettag s2;
	_ =	strace s9  }
0x27: {  	s1 =	sld [smem:$0x3FAF]  }
0x28: {  	s2 =	sld [smem:$0x3FB0]  }
0x29: {  	s4 =	sld [smem:$0x3FB2]  }
0x2a: {  	p0 =	seq.s32 s5, $0x0;
	s5 =	sld [smem:$0x3FB3]  }
0x2b: {  	s6 =	sld [smem:$0x3FB4]  }
0x2c: {  	s7 =	sld [smem:$0x3FB5]  }
0x2d: {  	s3 =	simm.s32 $0x108;
	s8 =	sld [smem:$0x3FB6]  }
0x2e: {  	s3 =	simm.s32 @!p0 $0x1082;
	s9 =	sld [smem:$0x3FB7]  }
0x2f: {  	lr =	sadd.s32 s0, s3;
	s0 =	sld [smem:$0x3FAE]  }
0x30: {  	s3 =	sld [smem:$0x3FB1]  }
0x31: {  	[smem:$0x3FBA] =	sst s10  }
0x32: {  	s10 =	sld [smem:$0x3FB8];
	_ =	sdelay $0x3  }
0x33: {  	p0 =	seq.s32 s10, $0x1;
	s10 =	sld [smem:$0x3FBA];
	_ =	sdelay $0x3  }
0x34: {  	[smem:$0x3FBA] =	sst s10  }
0x35: {  	s10 =	sld [smem:$0x3FB9];
	_ =	sdelay $0x3  }
0x36: {  	p1 =	seq.s32 s10, $0x1;
	s10 =	sld [smem:$0x3FBA];
	_ =	sdelay $0x3  }
0x37: {  	[smem:$0x3FBA] =	sst s10  }
0x38: {  	s10 =	sld [smem:$0x3FBB]  }
0x39: {  	_ = 	snop;
	(pc) =	sbr.ind lr, $3  }
0x3a: {  	_ = 	snop  }
0x3b: {  	_ = 	snop  }
0x3c: {  	p2 =	seq.s32 s10, $0x1;
	s10 =	sld [smem:$0x3FBA]  }
0x3d: {  	_ =	shalt  }
0x3e: {  	_ =	shalt  }
0x3f: {  	_ =	shalt  }
0x40: {  	_ =	shalt  }
0x41: {  	_ =	shalt  }
0x42: {  	_ =	shalt  }
0x43: {  	_ =	shalt  }
0x44: {  	_ =	shalt  }
0x45: {  	_ =	shalt  }
0x46: {  	_ =	shalt  }
0x47: {  	_ =	shalt  }
0x48: {  	_ =	shalt  }
0x49: {  	_ =	shalt  }
0x4a: {  	_ =	shalt  }
0x4b: {  	_ =	shalt  }
0x4c: {  	_ =	shalt  }
0x4d: {  	_ =	shalt  }
0x4e: {  	_ =	shalt  }
0x4f: {  	_ =	shalt  }
0x50: {  	_ =	shalt  }
0x51: {  	_ =	shalt  }
0x52: {  	_ =	shalt  }
0x53: {  	_ =	shalt  }
0x54: {  	_ =	shalt  }
0x55: {  	_ =	shalt  }
0x56: {  	_ =	shalt  }
0x57: {  	_ =	shalt  }
0x58: {  	_ =	shalt  }
0x59: {  	_ =	shalt  }
0x5a: {  	_ =	shalt  }
0x5b: {  	_ =	shalt  }
0x5c: {  	_ =	shalt  }
0x5d: {  	_ =	shalt  }
0x5e: {  	_ =	shalt  }
0x5f: {  	_ =	shalt  }
0x60: {  	_ =	shalt  }
0x61: {  	_ =	shalt  }
0x62: {  	_ =	shalt  }
0x63: {  	_ =	shalt  }
0x64: {  	_ =	shalt  }
0x65: {  	_ =	shalt  }
0x66: {  	_ =	shalt  }
0x67: {  	_ =	shalt  }
0x68: {  	_ =	shalt  }
0x69: {  	_ =	shalt  }
0x6a: {  	_ =	shalt  }
0x6b: {  	_ =	shalt  }
0x6c: {  	_ =	shalt  }
0x6d: {  	_ =	shalt  }
0x6e: {  	_ =	shalt  }
0x6f: {  	_ =	shalt  }
0x70: {  	_ =	shalt  }
0x71: {  	_ =	shalt  }
0x72: {  	_ =	shalt  }
0x73: {  	_ =	shalt  }
0x74: {  	_ =	shalt  }
0x75: {  	_ =	shalt  }
0x76: {  	_ =	shalt  }
0x77: {  	_ =	shalt  }
0x78: {  	_ =	shalt  }
0x79: {  	_ =	shalt  }
0x7a: {  	_ =	shalt  }
0x7b: {  	_ =	shalt  }
0x7c: {  	_ =	shalt  }
0x7d: {  	_ =	shalt  }
0x7e: {  	_ =	shalt  }
0x7f: {  	_ =	shalt  }
0x80: {  	_ =	shalt  }
0x81: {  	_ =	shalt  }
0x82: {  	_ =	shalt  }
0x83: {  	_ =	shalt  }
0x84: {  	_ =	shalt  }
0x85: {  	_ =	shalt  }
0x86: {  	_ =	shalt  }
0x87: {  	_ =	shalt  }
.Lfunc_end0:
.L_simem_size_0:
called_computation_lowered:
.L_overlay_start_0:
0x88: {  	s2 =	sld [smem:$0x3FD9]  }
0x89: {  	s3 =	sld [smem:$0x3FFE];
	_ =	sdelay $0x1  }
0x8a: {  	s1 =	srdreg.scid  }
0x8b: {  	s0 =	sand.u32 $0x1, s1  }
0x8c: {  	s17 =	sshll.u32 s0, $0xA;
	s2 =	sadd.s32 s3, s2  }
0x8d: {  	s2 =	sadd.s32 s2, s17  }
0x8e: {  	[smem:$0x3FC6] =	sst s2  }
0x8f: {  	_ = 	snop  }
0x90: {  	s2 =	sld [smem:$0x3FC8]  }
0x91: {  	s18 =	sld [smem:$0x3FD0];
	(tm) =	ssettm $0x1  }
0x92: {  	s4 =	sld [smem:$0x3FFB];
	_ =	sdelay $0x3  }
0x93: {  	_ =	strace s4  }
0x94: {  	s4 =	sld [smem:$0x3FFC];
	_ =	sdelay $0x3  }
0x95: {  	_ =	strace s4  }
0x96: {  	s4 =	sld [smem:$0x3FFD];
	_ =	sdelay $0x3  }
0x97: {  	_ =	strace s4  }
0x98: {  	_ =	strace $0x8FFFFFFF  }
0x99: {  	s19 =	sld [smem:$0x3FDB];
	_ =	sdelay $0x1  }
0x9a: {  	s5 =	simm.s32 $_scs_section_size  }
0x9b: {  	s6 =	simm.s32 $_size__tile_overlayer_lowered;
	s7 =	simm.s32 $_tile_overlayer_lowered  }
0x9c: {  	s22 =	simm.s32 $0x1BFF;
	s21 =	sshll.u32 s7, $0x1;
	s4 =	sadd.s32 s5, s19  }
0x9d: {  	s8 =	simm.s32 $0x0;
	s20 =	sshll.u32 s6, $0x1;
	s6 =	sadd.s32 s21, s4  }
0x9e: {  	[timem:s8], [sflag:s22] =	dma.local [hbm:s6], s20  }
0x9f: {  	_ =	swait.ge [sflag:s22], s20  }
0xa0: {  	s5 =	ssub.s32 $0x0, s20;
	[sflag:s22] =	ssyncset.done $0x0  }
0xa1: {  	[sflag:s22] =	ssyncadd.s32 s5;
	_ =	sdelay $0x1  }
0xa2: {  	s23 =	simm.s32 $0x1B8B  }
0xa3: {  	_ =	swait.ge [sflag:s23], $0x1  }
0xa4: {  	[sflag:s23] =	ssyncset.done $0x0  }
0xa5: {  	s25 =	simm.s32 $0x1B8E;
	s24 =	sld [smem:$0x3FFE];
	[sflag:s23] =	ssyncadd.s32 $0xFFFFFFFF  }
0xa6: {  	s26 =	simm.s32 $execute0_lowered;
	[smem:$0x3FD2] =	sst s25  }
0xa7: {  	s6 =	sshll.u32 s26, $0x1;
	_ =	strace $0x80000046;
	[dreg:$0x1] =	wrdreg $0xFFFFFFFF  }
0xa8: {  	s28 =	simm.s32 $_size_execute0_lowered;
	s4 =	sadd.s32 s4, s6;
	[dreg:$0x0] =	wrdreg $0x0  }
0xa9: {  	s6 =	sshll.u32 s28, $0x1;
	[dreg:$0x2] =	wrdreg s4  }
0xaa: {  	[dreg:$0x3] =	wrdreg s6  }
0xab: {  	[dreg:$0x4] =	wrdreg $0xC0  }
0xac: {  	_ =	task [dreg:s8], $0x5FFFF  }
0xad: {  	[dreg:$0x1] =	wrdreg $0xFFFFFFFF  }
0xae: {  	[dreg:$0x0] =	wrdreg $0x60  }
0xaf: {  	[dreg:$0x2] =	wrdreg s24  }
0xb0: {  	[dreg:$0x3] =	wrdreg s2  }
0xb1: {  	[dreg:$0x4] =	wrdreg s18  }
0xb2: {  	[dreg:$0x5] =	wrdreg $0x9  }
0xb3: {  	_ =	task.clear_ibuf [dreg:s8], $0x6FFFF;
	_ =	strace $0x90000046  }
0xb4: {  	s29 =	simm.s32 $0x9;
	_ =	strace $0x80000048  }
0xb5: {  	_ =	swait.ge [sflag:s29], $0x1  }
0xb6: {  	[sflag:s29] =	ssyncadd.s32 $0xFFFFFFFF  }
0xb7: {  	_ =	strace $0x90000048  }
0xb8: {  	_ =	sfence  }
0xb9: {  	s30 =	sld [smem:$0x0];
	_ =	sdelay $0x2  }
0xba: {  	s31 =	sshll.u32 s1, $0xD;
	s1 =	sshrl.u32 s1, $0x2  }
0xbb: {  	s3 =	sand.u32 $0x4000, s31;
	s1 =	sadd.s32 s1, s30  }
0xbc: {  	s0 =	sor.u32 s3, s0;
	s1 =	sshll.u32 s1, $0x11  }
0xbd: {  	s0 =	sor.u32 s1, s0  }
0xbe: {  	s0 =	sadd.s32 $0x8F2B, s0  }
0xbf: {  	[sflag:s0] =	ssyncadd.remote.s32 $0x1  }
0xc0: {  	_ =	sfence.sel $0xFFFF  }
0xc1: {  	[dreg:$0x0] =	wrdreg $0xFFFFFFFF;
	(pc) =	sbr.abs _section_cstart, $3  }
0xc2: {  	[dreg:$0x1] =	wrdreg $0xFFFFFFFF  }
0xc3: {  	_ =	task.clear_ibuf [dreg:s8], $0x2FFFF;
	_ =	strace $0x9FFFFFFF  }
0xc4: {  	(tm) =	ssettm $0x7FFFFFFF  }
0xc5: {  	_ =	shalt  }
tec
execute0_lowered:
.L_overlay_start_1:
0x0: {  	(tag) =	ssettag $0x1  }
0x1: {  	s0 =	rddreg [dreg:$0x0];
	s1 =	srdreg.scid  }
0x2: {  	s11 =	stileid.u32;
	s2 =	rddreg [dreg:$0x1]  }
0x3: {  	s4 =	rddreg [dreg:$0x2];
	s29 =	simm.s32 $0x13400;
	s30 =	simm.s32 $0x3  }
0x4: {  	s1 =	sand.u32 $0x1, s1;
	s3 =	sshll.u32 s11, $0x1;
	s21 =	smul.u32 $0x64000, s11  }
0x5: {  	s5 =	sor.u32 s1, s3;
	s7 =	ssub.s32 $0x2, s1;
	s1 =	smul.u32 $0x32000, s1  }
0x6: {  	s28 =	simm.s32 $0x5;
	s3 =	simm.s32 $0x0;
	s6 =	smul.u32 $0x680, s5  }
0x7: {  	s31 =	simm.s32 $0x8;
	s8 =	smul.u32 $0x32000, s5;
	[smem:$0x7FF] =	sst s3  }
0x8: {  	s9 =	sshrl.u32 s7, $0x1;
	s10 =	smul.u32 $0x190000, s5;
	_ =	strace $0x80000047  }
0x9: {  	s15 =	ssub.s32 s7, s9;
	s7 =	simm.s32 $0xB;
	s0 =	sadd.s32 s6, s0  }
0xa: {  	s9 =	simm.s32 $0x0;
	s5 =	sadd.s32 s4, s8;
	s0 =	sadd.s32 $0x400, s0  }
0xb: {  	s16 =	sshrl.u32 s10, $0x3;
	s17 =	sadd.s32 $0x800, s5;
	[dreg:$0x4] =	wrdreg s0  }
0xc: {  	s15 =	smax.u32 s15, $0x1;
	s18 =	sadd.s32 $0x1000, s5;
	[dreg:$0x5] =	wrdreg s17  }
0xd: {  	s6 =	simm.s32 $0xA;
	s19 =	sadd.s32 $0x1800, s5;
	[dreg:$0x6] =	wrdreg s18  }
0xe: {  	s8 =	simm.s32 $0xC;
	s0 =	sadd.s32 s4, s16;
	[dreg:$0x7] =	wrdreg s19  }
0xf: {  	s4 =	sadd.s32 s21, s4;
	s17 =	simm.s32 $0xD;
	s18 =	simm.s32 $0x80  }
0x10: {  	s19 =	simm.s32 $0x3400;
	s21 =	simm.s32 $0x7;
	s20 =	sadd.s32 $0x2F000, s0  }
0x11: {  	s22 =	sadd.s32 $0x2F800, s0;
	s23 =	sadd.s32 $0x30000, s0;
	[dreg:$0x8] =	wrdreg s20  }
0x12: {  	s24 =	sadd.s32 $0x30800, s0;
	s25 =	sadd.s32 $0x31000, s0;
	[dreg:$0x9] =	wrdreg s22  }
0x13: {  	s14 =	sadd.s32 $0x31800, s0;
	s26 =	sadd.s32 s1, s4;
	[dreg:$0xa] =	wrdreg s23  }
0x14: {  	s1 =	simm.s32 $0x17400;
	s0 =	simm.s32 $0x4;
	[dreg:$0xb] =	wrdreg s24  }
0x15: {  	s4 =	simm.s32 $0x9;
	[dreg:$0xc] =	wrdreg s25;
	s16 =	sadd.s32 $0x2800, s26  }
0x16: {  	s20 =	simm.s32 $0x7400;
	s22 =	simm.s32 $0xB400;
	s23 =	simm.s32 $0x1  }
0x17: {  	s25 =	simm.s32 $0xF400;
	s26 =	simm.s32 $0x2;
	s24 =	simm.s32 $0x6  }
.LBB2_1:
0x18: {  	s10 =	rddreg [dreg:$0x4]  }
0x19: {  	[tilespmem:s3], [sflag:$0xD] =	stream.linear.gather [hbm4b:s10+s3], $0x3200, $0x38;
	[tilespmem:$0x1B400] =	vst v63  }
0x1a: {  	_ =	swait.ge [sflag:s17], $0x3200  }
0x1b: {  	[sflag:s17] =	ssyncset.done $0x0  }
0x1c: {  	[sflag:s17] =	ssyncadd.s32 $0xFFFFCE00  }
0x1d: {  	[tilespmem:s19], [sflag:$0x1] =	stream.indirect.gather [hbm4b:s2+s18], $0x80, s3, s18, $0xb8;
	[tilespmem:$0x1B400] =	vst v63  }
0x1e: {  	_ = 	snop  }
0x1f: {  	[tilespmem:s20], [sflag:$0x2] =	stream.indirect.gather [hbm4b:s2+s18], $0x80, s18, s18, $0xb8;
	[tilespmem:$0x1B400] =	vst v63  }
0x20: {  	s11 =	simm.s32 $0x100  }
0x21: {  	[tilespmem:s22], [sflag:$0x3] =	stream.indirect.gather [hbm4b:s2+s18], $0x80, s11, s18, $0xb8;
	[tilespmem:$0x1B400] =	vst v63  }
0x22: {  	_ =	swait.ge [sflag:s23], $0x4000  }
0x23: {  	[sflag:s23] =	ssyncset.done $0x0  }
0x24: {  	[sflag:s23] =	ssyncadd.s32 $0xFFFFC000  }
0x25: {  	[hbm4b:s5+s3] =	stream.linear.scatter [tilespmem:s19], [sflag:$0x7], $0x4000, $0x38;
	[tilespmem:$0x1B400] =	vst v63  }
0x26: {  	s12 =	simm.s32 $0x180  }
0x27: {  	[tilespmem:s25], [sflag:$0x4] =	stream.indirect.gather [hbm4b:s2+s18], $0x80, s12, s18, $0xb8;
	[tilespmem:$0x1B400] =	vst v63  }
0x28: {  	_ =	swait.ge [sflag:s26], $0x4000  }
0x29: {  	[sflag:s26] =	ssyncset.done $0x0  }
0x2a: {  	s13 =	rddreg [dreg:$0x5];
	[sflag:s26] =	ssyncadd.s32 $0xFFFFC000  }
0x2b: {  	[hbm4b:s13+s3] =	stream.linear.scatter [tilespmem:s20], [sflag:$0x8], $0x4000, $0x38;
	[tilespmem:$0x1B400] =	vst v63  }
0x2c: {  	s11 =	simm.s32 $0x200  }
0x2d: {  	[tilespmem:s29], [sflag:$0x5] =	stream.indirect.gather [hbm4b:s2+s18], $0x80, s11, s18, $0xb8;
	[tilespmem:$0x1B400] =	vst v63  }
0x2e: {  	_ =	swait.ge [sflag:s30], $0x4000  }
0x2f: {  	[sflag:s30] =	ssyncset.done $0x0  }
0x30: {  	s12 =	rddreg [dreg:$0x6];
	[sflag:s30] =	ssyncadd.s32 $0xFFFFC000  }
0x31: {  	[hbm4b:s12+s3] =	stream.linear.scatter [tilespmem:s22], [sflag:$0x9], $0x4000, $0x38;
	[tilespmem:$0x1B400] =	vst v63  }
0x32: {  	s13 =	simm.s32 $0x280  }
0x33: {  	[tilespmem:s1], [sflag:$0x6] =	stream.indirect.gather [hbm4b:s2+s18], $0x80, s13, s18, $0xb8;
	[tilespmem:$0x1B400] =	vst v63  }
0x34: {  	_ =	swait.ge [sflag:s0], $0x4000  }
0x35: {  	[sflag:s0] =	ssyncset.done $0x0  }
0x36: {  	s11 =	rddreg [dreg:$0x7];
	[sflag:s0] =	ssyncadd.s32 $0xFFFFC000  }
0x37: {  	[hbm4b:s11+s3] =	stream.linear.scatter [tilespmem:s25], [sflag:$0xA], $0x4000, $0x38;
	[tilespmem:$0x1B400] =	vst v63  }
0x38: {  	_ =	swait.ge [sflag:s21], $0x4000  }
0x39: {  	[sflag:s21] =	ssyncset.done $0x0  }
0x3a: {  	s12 =	simm.s32 $0x300;
	[sflag:s21] =	ssyncadd.s32 $0xFFFFC000  }
0x3b: {  	[tilespmem:s19], [sflag:$0x1] =	stream.indirect.gather [hbm4b:s2+s18], $0x80, s12, s18, $0xb8;
	[tilespmem:$0x1B400] =	vst v63  }
0x3c: {  	_ =	swait.ge [sflag:s28], $0x4000  }
0x3d: {  	[sflag:s28] =	ssyncset.done $0x0  }
0x3e: {  	s13 =	sadd.s32 $0xFFFFF800, s16;
	[sflag:s28] =	ssyncadd.s32 $0xFFFFC000  }
0x3f: {  	[hbm4b:s13+s3] =	stream.linear.scatter [tilespmem:s29], [sflag:$0xB], $0x4000, $0x38;
	[tilespmem:$0x1B400] =	vst v63  }
0x40: {  	_ =	swait.ge [sflag:s31], $0x4000  }
0x41: {  	[sflag:s31] =	ssyncset.done $0x0  }
0x42: {  	s11 =	simm.s32 $0x380;
	[sflag:s31] =	ssyncadd.s32 $0xFFFFC000  }
0x43: {  	[tilespmem:s20], [sflag:$0x2] =	stream.indirect.gather [hbm4b:s2+s18], $0x80, s11, s18, $0xb8;
	[tilespmem:$0x1B400] =	vst v63  }
0x44: {  	_ =	swait.ge [sflag:s24], $0x4000  }
0x45: {  	[sflag:s24] =	ssyncset.done $0x0  }
0x46: {  	[sflag:s24] =	ssyncadd.s32 $0xFFFFC000  }
0x47: {  	[hbm4b:s16+s3] =	stream.linear.scatter [tilespmem:s1], [sflag:$0xC], $0x4000, $0x38;
	[tilespmem:$0x1B400] =	vst v63  }
0x48: {  	_ =	swait.ge [sflag:s4], $0x4000  }
0x49: {  	[sflag:s4] =	ssyncset.done $0x0  }
0x4a: {  	s12 =	simm.s32 $0x400;
	[sflag:s4] =	ssyncadd.s32 $0xFFFFC000  }
0x4b: {  	[tilespmem:s22], [sflag:$0x3] =	stream.indirect.gather [hbm4b:s2+s18], $0x80, s12, s18, $0xb8;
	[tilespmem:$0x1B400] =	vst v63  }
0x4c: {  	_ =	swait.ge [sflag:s23], $0x4000  }
0x4d: {  	[sflag:s23] =	ssyncset.done $0x0  }
0x4e: {  	s13 =	sadd.s32 $0x800, s16;
	[sflag:s23] =	ssyncadd.s32 $0xFFFFC000  }
0x4f: {  	[hbm4b:s13+s3] =	stream.linear.scatter [tilespmem:s19], [sflag:$0x7], $0x4000, $0x38;
	[tilespmem:$0x1B400] =	vst v63  }
0x50: {  	_ =	swait.ge [sflag:s6], $0x4000  }
0x51: {  	[sflag:s6] =	ssyncset.done $0x0  }
0x52: {  	s11 =	simm.s32 $0x480;
	[sflag:s6] =	ssyncadd.s32 $0xFFFFC000  }
0x53: {  	[tilespmem:s25], [sflag:$0x4] =	stream.indirect.gather [hbm4b:s2+s18], $0x80, s11, s18, $0xb8;
	[tilespmem:$0x1B400] =	vst v63  }
0x54: {  	_ =	swait.ge [sflag:s26], $0x4000  }
0x55: {  	[sflag:s26] =	ssyncset.done $0x0  }
0x56: {  	s12 =	sadd.s32 $0x1000, s16;
	[sflag:s26] =	ssyncadd.s32 $0xFFFFC000  }
0x57: {  	[hbm4b:s12+s3] =	stream.linear.scatter [tilespmem:s20], [sflag:$0x8], $0x4000, $0x38;
	[tilespmem:$0x1B400] =	vst v63  }
0x58: {  	_ =	swait.ge [sflag:s7], $0x4000  }
0x59: {  	[sflag:s7] =	ssyncset.done $0x0  }
0x5a: {  	s13 =	simm.s32 $0x500;
	[sflag:s7] =	ssyncadd.s32 $0xFFFFC000  }
0x5b: {  	[tilespmem:s29], [sflag:$0x5] =	stream.indirect.gather [hbm4b:s2+s18], $0x80, s13, s18, $0xb8;
	[tilespmem:$0x1B400] =	vst v63  }
0x5c: {  	_ =	swait.ge [sflag:s30], $0x4000  }
0x5d: {  	[sflag:s30] =	ssyncset.done $0x0  }
0x5e: {  	s11 =	sadd.s32 $0x1800, s16;
	[sflag:s30] =	ssyncadd.s32 $0xFFFFC000  }
0x5f: {  	[hbm4b:s11+s3] =	stream.linear.scatter [tilespmem:s22], [sflag:$0x9], $0x4000, $0x38;
	[tilespmem:$0x1B400] =	vst v63  }
0x60: {  	_ =	swait.ge [sflag:s8], $0x4000  }
0x61: {  	[sflag:s8] =	ssyncset.done $0x0  }
0x62: {  	s12 =	simm.s32 $0x580;
	[sflag:s8] =	ssyncadd.s32 $0xFFFFC000  }
0x63: {  	[tilespmem:s1], [sflag:$0x6] =	stream.indirect.gather [hbm4b:s2+s18], $0x80, s12, s18, $0xb8;
	[tilespmem:$0x1B400] =	vst v63  }
0x64: {  	_ =	swait.ge [sflag:s0], $0x4000  }
0x65: {  	[sflag:s0] =	ssyncset.done $0x0  }
0x66: {  	s13 =	sadd.s32 $0x2000, s16;
	[sflag:s0] =	ssyncadd.s32 $0xFFFFC000  }
0x67: {  	[hbm4b:s13+s3] =	stream.linear.scatter [tilespmem:s25], [sflag:$0xA], $0x4000, $0x38;
	[tilespmem:$0x1B400] =	vst v63  }
0x68: {  	_ =	swait.ge [sflag:s21], $0x4000  }
0x69: {  	s10 =	simm.s32 $0xC00;
	[sflag:s21] =	ssyncset.done $0x0  }
0x6a: {  	s11 =	sadd.s32 $0x3000, s16;
	s12 =	simm.s32 $0x600;
	[sflag:s21] =	ssyncadd.s32 $0xFFFFC000  }
.LBB2_2:
0x6b: {  	[tilespmem:s19], [sflag:$0x1] =	stream.indirect.gather [hbm4b:s2+s18], $0x80, s12, s18, $0xb8;
	[tilespmem:$0x1B400] =	vst v63  }
0x6c: {  	s12 =	smov.u32 s10  }
0x6d: {  	p0 =	sne.s32 s10, $0xA800;
	s10 =	sadd.s32 $0xC00, s10;
	_ =	swait.ge [sflag:s28], $0x4000  }
0x6e: {  	[sflag:s28] =	ssyncset.done $0x0  }
0x6f: {  	s13 =	sadd.s32 $0xFFFFF800, s11;
	[sflag:s28] =	ssyncadd.s32 $0xFFFFC000  }
0x70: {  	[hbm4b:s13+s3] =	stream.linear.scatter [tilespmem:s29], [sflag:$0xB], $0x4000, $0x38;
	[tilespmem:$0x1B400] =	vst v63  }
0x71: {  	_ =	swait.ge [sflag:s31], $0x4000  }
0x72: {  	s12 =	sshra.s32 s12, $0x2;
	[sflag:s31] =	ssyncset.done $0x0  }
0x73: {  	s13 =	sadd.s32 $0x380, s12;
	[sflag:s31] =	ssyncadd.s32 $0xFFFFC000  }
0x74: {  	[tilespmem:s20], [sflag:$0x2] =	stream.indirect.gather [hbm4b:s2+s18], $0x80, s13, s18, $0xb8;
	[tilespmem:$0x1B400] =	vst v63  }
0x75: {  	_ =	swait.ge [sflag:s24], $0x4000  }
0x76: {  	[sflag:s24] =	ssyncset.done $0x0  }
0x77: {  	[sflag:s24] =	ssyncadd.s32 $0xFFFFC000  }
0x78: {  	[hbm4b:s11+s3] =	stream.linear.scatter [tilespmem:s1], [sflag:$0xC], $0x4000, $0x38;
	[tilespmem:$0x1B400] =	vst v63  }
0x79: {  	_ =	swait.ge [sflag:s4], $0x4000  }
0x7a: {  	[sflag:s4] =	ssyncset.done $0x0  }
0x7b: {  	s13 =	sadd.s32 $0x400, s12;
	[sflag:s4] =	ssyncadd.s32 $0xFFFFC000  }
0x7c: {  	[tilespmem:s22], [sflag:$0x3] =	stream.indirect.gather [hbm4b:s2+s18], $0x80, s13, s18, $0xb8;
	[tilespmem:$0x1B400] =	vst v63  }
0x7d: {  	_ =	swait.ge [sflag:s23], $0x4000  }
0x7e: {  	[sflag:s23] =	ssyncset.done $0x0  }
0x7f: {  	s13 =	sadd.s32 $0x800, s11;
	[sflag:s23] =	ssyncadd.s32 $0xFFFFC000  }
0x80: {  	[hbm4b:s13+s3] =	stream.linear.scatter [tilespmem:s19], [sflag:$0x7], $0x4000, $0x38;
	[tilespmem:$0x1B400] =	vst v63  }
0x81: {  	_ =	swait.ge [sflag:s6], $0x4000  }
0x82: {  	[sflag:s6] =	ssyncset.done $0x0  }
0x83: {  	s13 =	sadd.s32 $0x480, s12;
	[sflag:s6] =	ssyncadd.s32 $0xFFFFC000  }
0x84: {  	[tilespmem:s25], [sflag:$0x4] =	stream.indirect.gather [hbm4b:s2+s18], $0x80, s13, s18, $0xb8;
	[tilespmem:$0x1B400] =	vst v63  }
0x85: {  	_ =	swait.ge [sflag:s26], $0x4000  }
0x86: {  	[sflag:s26] =	ssyncset.done $0x0  }
0x87: {  	s13 =	sadd.s32 $0x1000, s11;
	[sflag:s26] =	ssyncadd.s32 $0xFFFFC000  }
0x88: {  	[hbm4b:s13+s3] =	stream.linear.scatter [tilespmem:s20], [sflag:$0x8], $0x4000, $0x38;
	[tilespmem:$0x1B400] =	vst v63  }
0x89: {  	_ =	swait.ge [sflag:s7], $0x4000  }
0x8a: {  	[sflag:s7] =	ssyncset.done $0x0  }
0x8b: {  	s13 =	sadd.s32 $0x500, s12;
	[sflag:s7] =	ssyncadd.s32 $0xFFFFC000  }
0x8c: {  	[tilespmem:s29], [sflag:$0x5] =	stream.indirect.gather [hbm4b:s2+s18], $0x80, s13, s18, $0xb8;
	[tilespmem:$0x1B400] =	vst v63  }
0x8d: {  	_ =	swait.ge [sflag:s30], $0x4000  }
0x8e: {  	[sflag:s30] =	ssyncset.done $0x0  }
0x8f: {  	s13 =	sadd.s32 $0x1800, s11;
	[sflag:s30] =	ssyncadd.s32 $0xFFFFC000  }
0x90: {  	[hbm4b:s13+s3] =	stream.linear.scatter [tilespmem:s22], [sflag:$0x9], $0x4000, $0x38;
	[tilespmem:$0x1B400] =	vst v63  }
0x91: {  	_ =	swait.ge [sflag:s8], $0x4000  }
0x92: {  	[sflag:s8] =	ssyncset.done $0x0  }
0x93: {  	s13 =	sadd.s32 $0x580, s12;
	[sflag:s8] =	ssyncadd.s32 $0xFFFFC000  }
0x94: {  	[tilespmem:s1], [sflag:$0x6] =	stream.indirect.gather [hbm4b:s2+s18], $0x80, s13, s18, $0xb8;
	[tilespmem:$0x1B400] =	vst v63  }
0x95: {  	_ =	swait.ge [sflag:s0], $0x4000  }
0x96: {  	[sflag:s0] =	ssyncset.done $0x0  }
.Ltmp0:
0x97: {  	s13 =	sadd.s32 $0x2000, s11;
	[sflag:s0] =	ssyncadd.s32 $0xFFFFC000;
	(pc) =	sbr.rel @p0 .LBB2_2-.Ltmp0, $4  }
0x98: {  	[hbm4b:s13+s3] =	stream.linear.scatter [tilespmem:s25], [sflag:$0xA], $0x4000, $0x38;
	[tilespmem:$0x1B400] =	vst v63  }
0x99: {  	_ =	swait.ge [sflag:s21], $0x4000  }
0x9a: {  	[sflag:s21] =	ssyncset.done $0x0  }
0x9b: {  	s12 =	sadd.s32 $0x600, s12;
	s11 =	sadd.s32 $0x3000, s11;
	[sflag:s21] =	ssyncadd.s32 $0xFFFFC000  }
0x9c: {  	[tilespmem:s19], [sflag:$0x1] =	stream.indirect.gather [hbm4b:s2+s18], $0x80, s12, s18, $0xb8;
	[tilespmem:$0x1B400] =	vst v63  }
0x9d: {  	_ =	swait.ge [sflag:s28], $0x4000  }
0x9e: {  	[sflag:s28] =	ssyncset.done $0x0  }
0x9f: {  	s10 =	rddreg [dreg:$0x8];
	[sflag:s28] =	ssyncadd.s32 $0xFFFFC000  }
0xa0: {  	[hbm4b:s10+s3] =	stream.linear.scatter [tilespmem:s29], [sflag:$0xB], $0x4000, $0x38;
	[tilespmem:$0x1B400] =	vst v63  }
0xa1: {  	_ =	swait.ge [sflag:s31], $0x4000  }
0xa2: {  	[sflag:s31] =	ssyncset.done $0x0  }
0xa3: {  	s13 =	simm.s32 $0x3080;
	[sflag:s31] =	ssyncadd.s32 $0xFFFFC000  }
0xa4: {  	[tilespmem:s20], [sflag:$0x2] =	stream.indirect.gather [hbm4b:s2+s18], $0x80, s13, s18, $0xb8;
	[tilespmem:$0x1B400] =	vst v63  }
0xa5: {  	_ =	swait.ge [sflag:s24], $0x4000  }
0xa6: {  	[sflag:s24] =	ssyncset.done $0x0  }
0xa7: {  	s11 =	rddreg [dreg:$0x9];
	[sflag:s24] =	ssyncadd.s32 $0xFFFFC000  }
0xa8: {  	[hbm4b:s11+s3] =	stream.linear.scatter [tilespmem:s1], [sflag:$0xC], $0x4000, $0x38;
	[tilespmem:$0x1B400] =	vst v63  }
0xa9: {  	_ =	swait.ge [sflag:s4], $0x4000  }
0xaa: {  	[sflag:s4] =	ssyncset.done $0x0  }
0xab: {  	s12 =	simm.s32 $0x3100;
	[sflag:s4] =	ssyncadd.s32 $0xFFFFC000  }
0xac: {  	[tilespmem:s22], [sflag:$0x3] =	stream.indirect.gather [hbm4b:s2+s18], $0x80, s12, s18, $0xb8;
	[tilespmem:$0x1B400] =	vst v63  }
0xad: {  	_ =	swait.ge [sflag:s23], $0x4000  }
0xae: {  	[sflag:s23] =	ssyncset.done $0x0  }
0xaf: {  	s13 =	rddreg [dreg:$0xa];
	[sflag:s23] =	ssyncadd.s32 $0xFFFFC000  }
0xb0: {  	[hbm4b:s13+s3] =	stream.linear.scatter [tilespmem:s19], [sflag:$0x7], $0x4000, $0x38;
	[tilespmem:$0x1B400] =	vst v63  }
0xb1: {  	_ =	swait.ge [sflag:s6], $0x4000  }
0xb2: {  	[sflag:s6] =	ssyncset.done $0x0  }
0xb3: {  	s11 =	simm.s32 $0x3180;
	[sflag:s6] =	ssyncadd.s32 $0xFFFFC000  }
0xb4: {  	[tilespmem:s25], [sflag:$0x4] =	stream.indirect.gather [hbm4b:s2+s18], $0x80, s11, s18, $0xb8;
	[tilespmem:$0x1B400] =	vst v63  }
0xb5: {  	_ =	swait.ge [sflag:s26], $0x4000  }
0xb6: {  	[sflag:s26] =	ssyncset.done $0x0  }
0xb7: {  	s12 =	rddreg [dreg:$0xb];
	[sflag:s26] =	ssyncadd.s32 $0xFFFFC000  }
0xb8: {  	[hbm4b:s12+s3] =	stream.linear.scatter [tilespmem:s20], [sflag:$0x8], $0x4000, $0x38;
	[tilespmem:$0x1B400] =	vst v63  }
0xb9: {  	_ =	swait.ge [sflag:s30], $0x4000  }
0xba: {  	[sflag:s30] =	ssyncset.done $0x0  }
0xbb: {  	s13 =	rddreg [dreg:$0xc];
	[sflag:s30] =	ssyncadd.s32 $0xFFFFC000  }
0xbc: {  	[hbm4b:s13+s3] =	stream.linear.scatter [tilespmem:s22], [sflag:$0x9], $0x4000, $0x38;
	[tilespmem:$0x1B400] =	vst v63  }
0xbd: {  	_ =	swait.ge [sflag:s0], $0x4000  }
0xbe: {  	[sflag:s0] =	ssyncset.done $0x0  }
0xbf: {  	[sflag:s0] =	ssyncadd.s32 $0xFFFFC000  }
0xc0: {  	[hbm4b:s14+s3] =	stream.linear.scatter [tilespmem:s25], [sflag:$0xA], $0x4000, $0x38;
	[tilespmem:$0x1B400] =	vst v63  }
0xc1: {  	_ =	swait.ge [sflag:s7], $0x4000  }
0xc2: {  	[sflag:s7] =	ssyncset.done $0x0  }
0xc3: {  	[sflag:s7] =	ssyncadd.s32 $0xFFFFC000  }
0xc4: {  	_ =	swait.ge [sflag:s8], $0x4000  }
0xc5: {  	[sflag:s8] =	ssyncset.done $0x0  }
0xc6: {  	[sflag:s8] =	ssyncadd.s32 $0xFFFFC000  }
0xc7: {  	_ =	swait.ge [sflag:s21], $0x4000  }
0xc8: {  	[sflag:s21] =	ssyncset.done $0x0  }
0xc9: {  	[sflag:s21] =	ssyncadd.s32 $0xFFFFC000  }
0xca: {  	_ =	swait.ge [sflag:s31], $0x4000  }
0xcb: {  	[sflag:s31] =	ssyncset.done $0x0  }
0xcc: {  	s9 =	sadd.s32 $0x1, s9;
	[sflag:s31] =	ssyncadd.s32 $0xFFFFC000  }
0xcd: {  	p0 =	sne.s32 s9, s15;
	_ =	swait.ge [sflag:s4], $0x4000  }
.Ltmp1:
0xce: {  	[sflag:s4] =	ssyncset.done $0x0;
	(pc) =	sbr.rel @p0 .LBB2_1-.Ltmp1, $4  }
0xcf: {  	[sflag:s4] =	ssyncadd.s32 $0xFFFFC000  }
0xd0: {  	_ =	swait.ge [sflag:s6], $0x4000  }
0xd1: {  	[sflag:s6] =	ssyncset.done $0x0  }
0xd2: {  	[sflag:s6] =	ssyncadd.s32 $0xFFFFC000  }
0xd3: {  	_ =	sfence.sel $0x180000  }
0xd4: {  	[bflag:$0x0] =	sbarrier.arrive $0xFFFF  }
0xd5: {  	_ =	strace $0x90000047  }
0xd6: {  	s0 =	stileid.u32;
	[bflag:$0x2] =	sbarrier.arrive $0xFFFF  }
0xd7: {  	p0 =	sne.s32 s0, $0x0;
	s0 =	rddreg [dreg:$0x3]  }
0xd8: {  	s0 =	sadd.s32 @!p0 $0x100000, s0  }
0xd9: {  	[sflag:s0] =	ssyncadd.tile.s32 @!p0 $0x1;
	_ =	shalt  }
.Lfunc_end2:
_tile_overlayer_lowered:
.L_overlay_start_2:
0xda: {  	(tag) =	ssettag $0x2  }
0xdb: {  	s0 =	rddreg [dreg:$0x0];
	s2 =	stileid.u32  }
0xdc: {  	s1 =	rddreg [dreg:$0x1];
	p0 =	sne.s32 s2, $0x0  }
0xdd: {  	s3 =	rddreg [dreg:$0x2];
	[bflag:$0x3] =	sbarrier.arrive $0xFFFF;
	s2 =	simm.s32 @!p0 $0x1C0D  }
0xde: {  	[timem:s3], [sflag:s2] =	dma.local @!p0 [hbm:s0], s1  }
0xdf: {  	s0 =	simm.s32 @!p0 $0xD  }
0xe0: {  	_ =	swait.ge @!p0 [sflag:s0], s1  }
0xe1: {  	s1 =	ssub.s32 @!p0 $0x0, s1;
	[sflag:s0] =	ssyncset.done @!p0 $0x0  }
0xe2: {  	[sflag:s0] =	ssyncadd.s32 @!p0 s1  }
0xe3: {  	[bflag:$0x3] =	sbarrier.arrive $0xFFFF  }
0xe4: {  	_ =	shalt  }

</sc_bundles>
